<compile_context>
chip_gen: v7x
topology: tpu7x:2x2x1
jax: 0.10.2.dev20260603
libtpu: 0.0.44.dev20260713+nightly
codegen_flags: <defaults>
</compile_context>

<pallas_src>
import functools

import jax
import jax.numpy as jnp
from jax import lax
from jax.experimental import pallas as pl
from jax.experimental.pallas import tpu as pltpu
from jax.experimental.pallas import tpu_sc as plsc

N = 10000
E = 320000
D = 128
H = 128
C = 64
W = 128

NC = 2
NS = 16
NW = NC * NS

N_PAD = 10112
RPT = N_PAD // NS
CHUNK = 128
N_CHUNKS = 2 * (-(-E // (NW * CHUNK * 2)))
E_PAD = NW * CHUNK * N_CHUNKS
T_CHUNKS = E_PAD // CHUNK
T_PAD = T_CHUNKS
K = T_CHUNKS // NW
assert NW * K == T_CHUNKS

_MESH = plsc.VectorSubcoreMesh(core_axis_name="c", subcore_axis_name="s")


@functools.partial(
    pl.kernel,
    mesh=_MESH,
    out_type=jax.ShapeDtypeStruct((NC, N_PAD, W), jnp.float32),
    scratch_types=[
        pltpu.VMEM((K, CHUNK), jnp.int32),
        pltpu.VMEM((K, CHUNK), jnp.int32),
        pltpu.VMEM((CHUNK, W), jnp.float32),
        pltpu.VMEM_SHARED((N_PAD, W), jnp.float32),
    ],
)
def _segsum(table_hbm, src_hbm, dst_hbm, zeros_hbm, out_hbm,
            sidx, didx, rows, acc):
    cid = lax.axis_index("c")
    sid = lax.axis_index("s")
    start = (cid * NS + sid) * K

    pltpu.sync_copy(zeros_hbm, acc.at[pl.ds(sid * RPT, RPT)])
    pltpu.sync_copy(src_hbm.at[pl.ds(start, K)], sidx)
    pltpu.sync_copy(dst_hbm.at[pl.ds(start, K)], didx)
    plsc.subcore_barrier()

    def body(k, carry):
        pltpu.sync_copy(table_hbm.at[sidx.at[k]], rows)
        pltpu.sync_copy(rows, acc.at[didx.at[k]], add=True)
        return carry

    lax.fori_loop(0, K, body, 0)
    plsc.subcore_barrier()

    pltpu.sync_copy(acc.at[pl.ds(sid * RPT, RPT)],
                    out_hbm.at[cid, pl.ds(sid * RPT, RPT)])


@functools.partial(
    pl.kernel,
    mesh=_MESH,
    out_type=jax.ShapeDtypeStruct((NC, N_PAD, W), jnp.float32),
    scratch_types=[
        pltpu.VMEM((N_CHUNKS, CHUNK), jnp.int32),
        pltpu.VMEM((CHUNK, W), jnp.float32),
        pltpu.VMEM_SHARED((N_PAD, W), jnp.float32),
    ],
)
def _degcount(dst_hbm, ones_hbm, zeros_hbm, out_hbm, didx, ones_rows, acc):
    cid = lax.axis_index("c")
    sid = lax.axis_index("s")
    wid = sid * NC + cid

    pltpu.sync_copy(zeros_hbm, acc.at[pl.ds(sid * RPT, RPT)])
    pltpu.sync_copy(ones_hbm, ones_rows)
    pltpu.sync_copy(dst_hbm.at[pl.ds(wid * N_CHUNKS, N_CHUNKS)], didx)
    plsc.subcore_barrier()

    def body(i, carry):
        pltpu.sync_copy(ones_rows, acc.at[didx.at[i]], add=True)
        return carry

    lax.fori_loop(0, N_CHUNKS, body, 0)
    plsc.subcore_barrier()

    pltpu.sync_copy(acc.at[pl.ds(sid * RPT, RPT)],
                    out_hbm.at[cid, pl.ds(sid * RPT, RPT)])


BM = N_PAD // 8
_GRID = (N_PAD // BM,)


def _tc_pre1(xp, Wn, Ws, b):
    def body(x_ref, wn_ref, ws_ref, b_ref, t_ref, s_ref):
        xb = x_ref[...]
        t_ref[...] = jnp.dot(xb, wn_ref[...], preferred_element_type=jnp.float32)
        s_ref[...] = jnp.dot(xb, ws_ref[...],
                             preferred_element_type=jnp.float32) + b_ref[...]

    return pl.pallas_call(
        body,
        grid=_GRID,
        in_specs=[
            pl.BlockSpec((BM, D), lambda i: (i, 0)),
            pl.BlockSpec((D, H), lambda i: (0, 0)),
            pl.BlockSpec((D, H), lambda i: (0, 0)),
            pl.BlockSpec((1, H), lambda i: (0, 0)),
        ],
        out_specs=[
            pl.BlockSpec((BM, W), lambda i: (i, 0)),
            pl.BlockSpec((BM, H), lambda i: (i, 0)),
        ],
        out_shape=[
            jax.ShapeDtypeStruct((N_PAD, W), jnp.float32),
            jax.ShapeDtypeStruct((N_PAD, H), jnp.float32),
        ],
    )(xp, Wn, Ws, b)


def _tc_dinv(pd0, pd1):
    def body(p0_ref, p1_ref, o_ref):
        deg = p0_ref[:, :1] + p1_ref[:, :1]
        o_ref[...] = 1.0 / jnp.maximum(deg, 1.0)

    return pl.pallas_call(
        body,
        grid=_GRID,
        in_specs=[
            pl.BlockSpec((BM, W), lambda i: (i, 0)),
            pl.BlockSpec((BM, W), lambda i: (i, 0)),
        ],
        out_specs=pl.BlockSpec((BM, 1), lambda i: (i, 0)),
        out_shape=jax.ShapeDtypeStruct((N_PAD, 1), jnp.float32),
    )(pd0, pd1)


def _tc_postpre(p0, p1, s, dinv, Wn, Ws, b, cols_out):
    def body(p0_ref, p1_ref, s_ref, dinv_ref, wn_ref, ws_ref, b_ref,
             t_ref, s2_ref):
        p = p0_ref[...] + p1_ref[...]
        h = jnp.maximum(s_ref[...] + p * dinv_ref[...], 0.0)
        t_ref[...] = jnp.dot(h, wn_ref[...], preferred_element_type=jnp.float32)
        s2_ref[...] = jnp.dot(h, ws_ref[...],
                              preferred_element_type=jnp.float32) + b_ref[...]

    return pl.pallas_call(
        body,
        grid=_GRID,
        in_specs=[
            pl.BlockSpec((BM, W), lambda i: (i, 0)),
            pl.BlockSpec((BM, W), lambda i: (i, 0)),
            pl.BlockSpec((BM, H), lambda i: (i, 0)),
            pl.BlockSpec((BM, 1), lambda i: (i, 0)),
            pl.BlockSpec((H, W), lambda i: (0, 0)),
            pl.BlockSpec((H, cols_out), lambda i: (0, 0)),
            pl.BlockSpec((1, cols_out), lambda i: (0, 0)),
        ],
        out_specs=[
            pl.BlockSpec((BM, W), lambda i: (i, 0)),
            pl.BlockSpec((BM, cols_out), lambda i: (i, 0)),
        ],
        out_shape=[
            jax.ShapeDtypeStruct((N_PAD, W), jnp.float32),
            jax.ShapeDtypeStruct((N_PAD, cols_out), jnp.float32),
        ],
    )(p0, p1, s, dinv, Wn, Ws, b)


def _tc_post3(p0, p1, s, dinv):
    def body(p0_ref, p1_ref, s_ref, dinv_ref, o_ref):
        p = p0_ref[:, :C] + p1_ref[:, :C]
        o_ref[...] = s_ref[...] + p * dinv_ref[...]

    return pl.pallas_call(
        body,
        grid=_GRID,
        in_specs=[
            pl.BlockSpec((BM, W), lambda i: (i, 0)),
            pl.BlockSpec((BM, W), lambda i: (i, 0)),
            pl.BlockSpec((BM, C), lambda i: (i, 0)),
            pl.BlockSpec((BM, 1), lambda i: (i, 0)),
        ],
        out_specs=pl.BlockSpec((BM, C), lambda i: (i, 0)),
        out_shape=jax.ShapeDtypeStruct((N_PAD, C), jnp.float32),
    )(p0, p1, s, dinv)


def kernel(x, edge_index, W_self1, W_neigh1, b1, W_self2, W_neigh2, b2,
           W_self3, W_neigh3, b3):
    src = edge_index[0].astype(jnp.int32)
    dst = edge_index[1].astype(jnp.int32)
    src_p = jnp.concatenate(
        [src, jnp.zeros((T_PAD * CHUNK - E,), jnp.int32)])
    dst_p = jnp.concatenate(
        [dst, jnp.full((T_PAD * CHUNK - E,), N_PAD - 1, jnp.int32)])
    src_p = src_p.reshape(T_PAD, CHUNK)
    dst_p = dst_p.reshape(T_PAD, CHUNK)

    xp = jnp.zeros((N_PAD, D), jnp.float32).at[:N].set(x)
    zeros = jnp.zeros((RPT, W), jnp.float32)
    ones = jnp.ones((CHUNK, W), jnp.float32)

    b1r = b1.reshape(1, H)
    b2r = b2.reshape(1, H)
    b3r = b3.reshape(1, C)
    Wn3p = jnp.zeros((H, W), jnp.float32).at[:, :C].set(W_neigh3)

    pd = _degcount(dst_p, ones, zeros)
    dinv = _tc_dinv(pd[0], pd[1])

    t1, s1 = _tc_pre1(xp, W_neigh1, W_self1, b1r)
    p1 = _segsum(t1, src_p, dst_p, zeros)
    t2, s2 = _tc_postpre(p1[0], p1[1], s1, dinv, W_neigh2, W_self2, b2r, H)
    p2 = _segsum(t2, src_p, dst_p, zeros)
    t3, s3 = _tc_postpre(p2[0], p2[1], s2, dinv, Wn3p, W_self3, b3r, C)
    p3 = _segsum(t3, src_p, dst_p, zeros)
    out = _tc_post3(p3[0], p3[1], s3, dinv)
    return out[:N]

# --- scband reference (transcript-rebuilt; emitter-appended) ---
"""Pipeline reference for scband-sage-15187004359143 (READ-ONLY COPY).

The authoritative reference and input builder live on the scoring server;
editing this copy changes nothing except your own understanding.
"""

import jax, jax.numpy as jnp
import numpy as np

N = 10000
E = 320000
D = 128
H = 128
C = 64


def setup_inputs(seed: int = 0) -> dict:
    key = jax.random.key(seed)
    ks = jax.random.split(key, 12)
    x = jax.random.normal(ks[0], (N, D), dtype=jnp.float32)
    edge_index = jax.random.randint(ks[1], (2, E), 0, N, dtype=jnp.int64)
    def init_w(k, fan_in, fan_out):
        return jax.random.normal(k, (fan_in, fan_out), dtype=jnp.float32) * (1.0 / np.sqrt(fan_in))
    W_self1 = init_w(ks[2], D, H)
    W_neigh1 = init_w(ks[3], D, H)
    b1 = jnp.zeros((H,), dtype=jnp.float32)
    W_self2 = init_w(ks[4], H, H)
    W_neigh2 = init_w(ks[5], H, H)
    b2 = jnp.zeros((H,), dtype=jnp.float32)
    W_self3 = init_w(ks[6], H, C)
    W_neigh3 = init_w(ks[7], H, C)
    b3 = jnp.zeros((C,), dtype=jnp.float32)
    return {"x": x, "edge_index": edge_index,
            "W_self1": W_self1, "W_neigh1": W_neigh1, "b1": b1,
            "W_self2": W_self2, "W_neigh2": W_neigh2, "b2": b2,
            "W_self3": W_self3, "W_neigh3": W_neigh3, "b3": b3}


def _sage_layer(h, src, dst, W_self, W_neigh, b):
    # DGL SAGEConv 'mean': out = fc_self(h_dst) + fc_neigh(mean_{src->dst} h_src) + bias
    msgs = jnp.take(h, src, axis=0)
    agg = jax.ops.segment_sum(msgs, dst, num_segments=N)
    deg = jax.ops.segment_sum(jnp.ones((src.shape[0],), dtype=h.dtype), dst, num_segments=N)
    agg = agg / jnp.clip(deg, 1.0, None)[:, None]
    return h @ W_self + agg @ W_neigh + b


def reference(x, edge_index, W_self1, W_neigh1, b1, W_self2, W_neigh2, b2, W_self3, W_neigh3, b3):
    src = edge_index[0]
    dst = edge_index[1]
    h = _sage_layer(x, src, dst, W_self1, W_neigh1, b1)
    h = jax.nn.relu(h)  # dropout omitted (eval mode)
    h = _sage_layer(h, src, dst, W_self2, W_neigh2, b2)
    h = jax.nn.relu(h)
    h = _sage_layer(h, src, dst, W_self3, W_neigh3, b3)
    return h

if __name__ == "__main__":
    import jax
    _d = setup_inputs()
    print(jax.jit(kernel)(*tuple(_d.values())))

</pallas_src>

<mosaic_0001>
#map = affine_map<(d0, d1) -> (0, 0)>
#map1 = affine_map<(d0, d1) -> (0, 0, 0)>
module attributes {stable_mosaic.version = 14 : i64} {
  func.func @_segsum(%arg0: i32, %arg1: i32, %arg2: memref<10112x128xf32, #tpu.memory_space<hbm>>, %arg3: memref<2560x128xi32, #tpu.memory_space<hbm>>, %arg4: memref<2560x128xi32, #tpu.memory_space<hbm>>, %arg5: memref<632x128xf32, #tpu.memory_space<hbm>>, %arg6: memref<2x10112x128xf32, #tpu.memory_space<hbm>>, %arg7: memref<80x128xi32, #tpu.memory_space<vmem>>, %arg8: memref<80x128xi32, #tpu.memory_space<vmem>>, %arg9: memref<128x128xf32, #tpu.memory_space<vmem>>, %arg10: memref<10112x128xf32, #tpu.memory_space<vmem_shared>>) attributes {dimension_semantics = [#tpu.dimension_semantics<core_parallel>, #tpu.dimension_semantics<subcore_parallel>], iteration_bounds = array<i64: 2, 16>, scalar_prefetch = 0 : i64, scratch_operands = 4 : i64, tpu.core_type = #tpu.core_type<sc_vector_subcore>, window_params = [{transform_indices = #map}, {transform_indices = #map}, {transform_indices = #map}, {transform_indices = #map}, {transform_indices = #map1}]} {
    %mul3A = arith.constant 16 : i32
    %mul3A_0 = arith.muli %arg0, %mul3A : i32
    %add3A = arith.addi %mul3A_0, %arg1 : i32
    %mul3A_1 = arith.constant 80 : i32
    %mul3A_2 = arith.muli %add3A, %mul3A_1 : i32
    %mul3A_3 = arith.constant 632 : i32
    %mul3A_4 = arith.muli %arg1, %mul3A_3 : i32
    "tpu.region"() ({
      %run_scoped3A = tpu.sem_alloc : memref<!tpu.dma_semaphore, #tpu.memory_space<semaphore_mem>>
      %dma_start3A = arith.constant 0 : i32
      %dma_start3A_15 = tpu.memref_slice %arg10[%mul3A_4, %dma_start3A] : memref<10112x128xf32, #tpu.memory_space<vmem_shared>> -> memref<632x128xf32, #tpu.memory_space<vmem_shared>>
      tpu.enqueue_dma source(%arg5 : memref<632x128xf32, #tpu.memory_space<hbm>>) target(%dma_start3A_15 : memref<632x128xf32, #tpu.memory_space<vmem_shared>>) target_semaphore(%run_scoped3A : memref<!tpu.dma_semaphore, #tpu.memory_space<semaphore_mem>>)
      %dma_wait3A = arith.constant 0 : i32
      %dma_wait3A_16 = tpu.memref_slice %arg10[%mul3A_4, %dma_wait3A] : memref<10112x128xf32, #tpu.memory_space<vmem_shared>> -> memref<632x128xf32, #tpu.memory_space<vmem_shared>>
      tpu.wait_dma2 semaphore(%run_scoped3A : memref<!tpu.dma_semaphore, #tpu.memory_space<semaphore_mem>>) src(%arg5 : memref<632x128xf32, #tpu.memory_space<hbm>>) dst(%dma_wait3A_16 : memref<632x128xf32, #tpu.memory_space<vmem_shared>>)
      tpu.yield
    }) : () -> ()
    "tpu.region"() ({
      %run_scoped3A = tpu.sem_alloc : memref<!tpu.dma_semaphore, #tpu.memory_space<semaphore_mem>>
      %dma_start3A = arith.constant 0 : i32
      %dma_start3A_15 = tpu.memref_slice %arg3[%mul3A_2, %dma_start3A] : memref<2560x128xi32, #tpu.memory_space<hbm>> -> memref<80x128xi32, #tpu.memory_space<hbm>>
      %dma_start3A_16 = arith.constant 0 : i32
      %dma_start3A_17 = tpu.memref_slice %arg3[%mul3A_2, %dma_start3A_16] : memref<2560x128xi32, #tpu.memory_space<hbm>> -> memref<80x128xi32, #tpu.memory_space<hbm>>
      tpu.enqueue_dma source(%dma_start3A_17 : memref<80x128xi32, #tpu.memory_space<hbm>>) target(%arg7 : memref<80x128xi32, #tpu.memory_space<vmem>>) target_semaphore(%run_scoped3A : memref<!tpu.dma_semaphore, #tpu.memory_space<semaphore_mem>>)
      %dma_wait3A = arith.constant 0 : i32
      %dma_wait3A_18 = tpu.memref_slice %arg3[%mul3A_2, %dma_wait3A] : memref<2560x128xi32, #tpu.memory_space<hbm>> -> memref<80x128xi32, #tpu.memory_space<hbm>>
      %dma_wait3A_19 = arith.constant 0 : i32
      %dma_wait3A_20 = tpu.memref_slice %arg3[%mul3A_2, %dma_wait3A_19] : memref<2560x128xi32, #tpu.memory_space<hbm>> -> memref<80x128xi32, #tpu.memory_space<hbm>>
      tpu.wait_dma2 semaphore(%run_scoped3A : memref<!tpu.dma_semaphore, #tpu.memory_space<semaphore_mem>>) src(%dma_wait3A_20 : memref<80x128xi32, #tpu.memory_space<hbm>>) dst(%arg7 : memref<80x128xi32, #tpu.memory_space<vmem>>)
      tpu.yield
    }) : () -> ()
    "tpu.region"() ({
      %run_scoped3A = tpu.sem_alloc : memref<!tpu.dma_semaphore, #tpu.memory_space<semaphore_mem>>
      %dma_start3A = arith.constant 0 : i32
      %dma_start3A_15 = tpu.memref_slice %arg4[%mul3A_2, %dma_start3A] : memref<2560x128xi32, #tpu.memory_space<hbm>> -> memref<80x128xi32, #tpu.memory_space<hbm>>
      %dma_start3A_16 = arith.constant 0 : i32
      %dma_start3A_17 = tpu.memref_slice %arg4[%mul3A_2, %dma_start3A_16] : memref<2560x128xi32, #tpu.memory_space<hbm>> -> memref<80x128xi32, #tpu.memory_space<hbm>>
      tpu.enqueue_dma source(%dma_start3A_17 : memref<80x128xi32, #tpu.memory_space<hbm>>) target(%arg8 : memref<80x128xi32, #tpu.memory_space<vmem>>) target_semaphore(%run_scoped3A : memref<!tpu.dma_semaphore, #tpu.memory_space<semaphore_mem>>)
      %dma_wait3A = arith.constant 0 : i32
      %dma_wait3A_18 = tpu.memref_slice %arg4[%mul3A_2, %dma_wait3A] : memref<2560x128xi32, #tpu.memory_space<hbm>> -> memref<80x128xi32, #tpu.memory_space<hbm>>
      %dma_wait3A_19 = arith.constant 0 : i32
      %dma_wait3A_20 = tpu.memref_slice %arg4[%mul3A_2, %dma_wait3A_19] : memref<2560x128xi32, #tpu.memory_space<hbm>> -> memref<80x128xi32, #tpu.memory_space<hbm>>
      tpu.wait_dma2 semaphore(%run_scoped3A : memref<!tpu.dma_semaphore, #tpu.memory_space<semaphore_mem>>) src(%dma_wait3A_20 : memref<80x128xi32, #tpu.memory_space<hbm>>) dst(%arg8 : memref<80x128xi32, #tpu.memory_space<vmem>>)
      tpu.yield
    }) : () -> ()
    %barrier3A = arith.constant 0 : index
    tpu.barrier barrier_id(%barrier3A)
    %scan3A = arith.constant 0 : i32
    %scan3A_5 = arith.constant 0 : i32
    %scan3A_6 = arith.constant 80 : i32
    %scan3A_7 = arith.addi %scan3A_5, %scan3A_6 : i32
    %scan3A_8 = arith.constant 1 : i32
    scf.for %scan3A_15 = %scan3A_5 to %scan3A_7 step %scan3A_8  : i32 {
      "tpu.region"() ({
        %run_scoped3A = tpu.sem_alloc : memref<!tpu.dma_semaphore, #tpu.memory_space<semaphore_mem>>
        %dma_start3A = arith.constant 0 : i32
        %dma_start3A_16 = tpu.memref_slice %arg7[%scan3A_15, %dma_start3A] : memref<80x128xi32, #tpu.memory_space<vmem>> -> memref<1x128xi32, #tpu.memory_space<vmem>>
        %dma_start3A_17 = tpu.memref_squeeze %dma_start3A_16 : memref<1x128xi32, #tpu.memory_space<vmem>> -> memref<128xi32, #tpu.memory_space<vmem>>
        %dma_start3A_18 = arith.constant 0 : i32
        %dma_start3A_19 = arith.constant 0 : i32
        %dma_start3A_20 = tpu.memref_slice %arg2[%dma_start3A_18, %dma_start3A_19] : memref<10112x128xf32, #tpu.memory_space<hbm>> -> memref<10112x128xf32, #tpu.memory_space<hbm>>
        tpu.enqueue_indirect_dma source(%dma_start3A_20 : memref<10112x128xf32, #tpu.memory_space<hbm>>) target(%arg9 : memref<128x128xf32, #tpu.memory_space<vmem>>) offsets(%dma_start3A_17 : memref<128xi32, #tpu.memory_space<vmem>>) semaphore(%run_scoped3A : memref<!tpu.dma_semaphore, #tpu.memory_space<semaphore_mem>>)
        %dma_wait3A = arith.constant 0 : i32
        %dma_wait3A_21 = tpu.memref_slice %arg7[%scan3A_15, %dma_wait3A] : memref<80x128xi32, #tpu.memory_space<vmem>> -> memref<1x128xi32, #tpu.memory_space<vmem>>
        %dma_wait3A_22 = tpu.memref_squeeze %dma_wait3A_21 : memref<1x128xi32, #tpu.memory_space<vmem>> -> memref<128xi32, #tpu.memory_space<vmem>>
        %dma_wait3A_23 = arith.constant 0 : i32
        %dma_wait3A_24 = arith.constant 0 : i32
        %dma_wait3A_25 = tpu.memref_slice %arg2[%dma_wait3A_23, %dma_wait3A_24] : memref<10112x128xf32, #tpu.memory_space<hbm>> -> memref<10112x128xf32, #tpu.memory_space<hbm>>
        tpu.wait_indirect_dma semaphore(%run_scoped3A : memref<!tpu.dma_semaphore, #tpu.memory_space<semaphore_mem>>) src(%dma_wait3A_25 : memref<10112x128xf32, #tpu.memory_space<hbm>>) dst(%arg9 : memref<128x128xf32, #tpu.memory_space<vmem>>)
        tpu.yield
      }) : () -> ()
      "tpu.region"() ({
        %run_scoped3A = tpu.sem_alloc : memref<!tpu.dma_semaphore, #tpu.memory_space<semaphore_mem>>
        %dma_start3A = arith.constant 0 : i32
        %dma_start3A_16 = tpu.memref_slice %arg8[%scan3A_15, %dma_start3A] : memref<80x128xi32, #tpu.memory_space<vmem>> -> memref<1x128xi32, #tpu.memory_space<vmem>>
        %dma_start3A_17 = tpu.memref_squeeze %dma_start3A_16 : memref<1x128xi32, #tpu.memory_space<vmem>> -> memref<128xi32, #tpu.memory_space<vmem>>
        %dma_start3A_18 = arith.constant 0 : i32
        %dma_start3A_19 = arith.constant 0 : i32
        %dma_start3A_20 = tpu.memref_slice %arg10[%dma_start3A_18, %dma_start3A_19] : memref<10112x128xf32, #tpu.memory_space<vmem_shared>> -> memref<10112x128xf32, #tpu.memory_space<vmem_shared>>
        tpu.enqueue_indirect_dma source(%arg9 : memref<128x128xf32, #tpu.memory_space<vmem>>) target(%dma_start3A_20 : memref<10112x128xf32, #tpu.memory_space<vmem_shared>>) offsets(%dma_start3A_17 : memref<128xi32, #tpu.memory_space<vmem>>) semaphore(%run_scoped3A : memref<!tpu.dma_semaphore, #tpu.memory_space<semaphore_mem>>) {add = true}
        %dma_wait3A = arith.constant 0 : i32
        %dma_wait3A_21 = tpu.memref_slice %arg8[%scan3A_15, %dma_wait3A] : memref<80x128xi32, #tpu.memory_space<vmem>> -> memref<1x128xi32, #tpu.memory_space<vmem>>
        %dma_wait3A_22 = tpu.memref_squeeze %dma_wait3A_21 : memref<1x128xi32, #tpu.memory_space<vmem>> -> memref<128xi32, #tpu.memory_space<vmem>>
        %dma_wait3A_23 = arith.constant 0 : i32
        %dma_wait3A_24 = arith.constant 0 : i32
        %dma_wait3A_25 = tpu.memref_slice %arg10[%dma_wait3A_23, %dma_wait3A_24] : memref<10112x128xf32, #tpu.memory_space<vmem_shared>> -> memref<10112x128xf32, #tpu.memory_space<vmem_shared>>
        tpu.wait_indirect_dma semaphore(%run_scoped3A : memref<!tpu.dma_semaphore, #tpu.memory_space<semaphore_mem>>) src(%arg9 : memref<128x128xf32, #tpu.memory_space<vmem>>) dst(%dma_wait3A_25 : memref<10112x128xf32, #tpu.memory_space<vmem_shared>>)
        tpu.yield
      }) : () -> ()
    }
    %scan3A_9 = arith.constant 80 : i32
    %barrier3A_10 = arith.constant 0 : index
    tpu.barrier barrier_id(%barrier3A_10)
    %mul3A_11 = arith.constant 632 : i32
    %mul3A_12 = arith.muli %arg1, %mul3A_11 : i32
    %mul3A_13 = arith.constant 632 : i32
    %mul3A_14 = arith.muli %arg1, %mul3A_13 : i32
    "tpu.region"() ({
      %run_scoped3A = tpu.sem_alloc : memref<!tpu.dma_semaphore, #tpu.memory_space<semaphore_mem>>
      %dma_start3A = arith.constant 0 : i32
      %dma_start3A_15 = tpu.memref_slice %arg6[%arg0, %mul3A_14, %dma_start3A] : memref<2x10112x128xf32, #tpu.memory_space<hbm>> -> memref<1x632x128xf32, #tpu.memory_space<hbm>>
      %dma_start3A_16 = tpu.memref_squeeze %dma_start3A_15 : memref<1x632x128xf32, #tpu.memory_space<hbm>> -> memref<632x128xf32, #tpu.memory_space<hbm>>
      %dma_start3A_17 = arith.constant 0 : i32
      %dma_start3A_18 = tpu.memref_slice %arg10[%mul3A_12, %dma_start3A_17] : memref<10112x128xf32, #tpu.memory_space<vmem_shared>> -> memref<632x128xf32, #tpu.memory_space<vmem_shared>>
      tpu.enqueue_dma source(%dma_start3A_18 : memref<632x128xf32, #tpu.memory_space<vmem_shared>>) target(%dma_start3A_16 : memref<632x128xf32, #tpu.memory_space<hbm>>) target_semaphore(%run_scoped3A : memref<!tpu.dma_semaphore, #tpu.memory_space<semaphore_mem>>)
      %dma_wait3A = arith.constant 0 : i32
      %dma_wait3A_19 = tpu.memref_slice %arg6[%arg0, %mul3A_14, %dma_wait3A] : memref<2x10112x128xf32, #tpu.memory_space<hbm>> -> memref<1x632x128xf32, #tpu.memory_space<hbm>>
      %dma_wait3A_20 = tpu.memref_squeeze %dma_wait3A_19 : memref<1x632x128xf32, #tpu.memory_space<hbm>> -> memref<632x128xf32, #tpu.memory_space<hbm>>
      %dma_wait3A_21 = arith.constant 0 : i32
      %dma_wait3A_22 = tpu.memref_slice %arg10[%mul3A_12, %dma_wait3A_21] : memref<10112x128xf32, #tpu.memory_space<vmem_shared>> -> memref<632x128xf32, #tpu.memory_space<vmem_shared>>
      tpu.wait_dma2 semaphore(%run_scoped3A : memref<!tpu.dma_semaphore, #tpu.memory_space<semaphore_mem>>) src(%dma_wait3A_22 : memref<632x128xf32, #tpu.memory_space<vmem_shared>>) dst(%dma_wait3A_20 : memref<632x128xf32, #tpu.memory_space<hbm>>)
      tpu.yield
    }) : () -> ()
    return
  }
}

#map = affine_map<(d0, d1) -> (0, 0)>
#map1 = affine_map<(d0, d1) -> (0, 0, 0)>
module attributes {stable_mosaic.version = 14 : i64} {
  func.func @_degcount(%arg0: i32, %arg1: i32, %arg2: memref<2560x128xi32, #tpu.memory_space<hbm>>, %arg3: memref<128x128xf32, #tpu.memory_space<hbm>>, %arg4: memref<632x128xf32, #tpu.memory_space<hbm>>, %arg5: memref<2x10112x128xf32, #tpu.memory_space<hbm>>, %arg6: memref<80x128xi32, #tpu.memory_space<vmem>>, %arg7: memref<128x128xf32, #tpu.memory_space<vmem>>, %arg8: memref<10112x128xf32, #tpu.memory_space<vmem_shared>>) attributes {dimension_semantics = [#tpu.dimension_semantics<core_parallel>, #tpu.dimension_semantics<subcore_parallel>], iteration_bounds = array<i64: 2, 16>, scalar_prefetch = 0 : i64, scratch_operands = 3 : i64, tpu.core_type = #tpu.core_type<sc_vector_subcore>, window_params = [{transform_indices = #map}, {transform_indices = #map}, {transform_indices = #map}, {transform_indices = #map1}]} {
    %mul3A = arith.constant 2 : i32
    %mul3A_0 = arith.muli %arg1, %mul3A : i32
    %add3A = arith.addi %mul3A_0, %arg0 : i32
    %mul3A_1 = arith.constant 632 : i32
    %mul3A_2 = arith.muli %arg1, %mul3A_1 : i32
    "tpu.region"() ({
      %run_scoped3A = tpu.sem_alloc : memref<!tpu.dma_semaphore, #tpu.memory_space<semaphore_mem>>
      %dma_start3A = arith.constant 0 : i32
      %dma_start3A_15 = tpu.memref_slice %arg8[%mul3A_2, %dma_start3A] : memref<10112x128xf32, #tpu.memory_space<vmem_shared>> -> memref<632x128xf32, #tpu.memory_space<vmem_shared>>
      tpu.enqueue_dma source(%arg4 : memref<632x128xf32, #tpu.memory_space<hbm>>) target(%dma_start3A_15 : memref<632x128xf32, #tpu.memory_space<vmem_shared>>) target_semaphore(%run_scoped3A : memref<!tpu.dma_semaphore, #tpu.memory_space<semaphore_mem>>)
      %dma_wait3A = arith.constant 0 : i32
      %dma_wait3A_16 = tpu.memref_slice %arg8[%mul3A_2, %dma_wait3A] : memref<10112x128xf32, #tpu.memory_space<vmem_shared>> -> memref<632x128xf32, #tpu.memory_space<vmem_shared>>
      tpu.wait_dma2 semaphore(%run_scoped3A : memref<!tpu.dma_semaphore, #tpu.memory_space<semaphore_mem>>) src(%arg4 : memref<632x128xf32, #tpu.memory_space<hbm>>) dst(%dma_wait3A_16 : memref<632x128xf32, #tpu.memory_space<vmem_shared>>)
      tpu.yield
    }) : () -> ()
    "tpu.region"() ({
      %run_scoped3A = tpu.sem_alloc : memref<!tpu.dma_semaphore, #tpu.memory_space<semaphore_mem>>
      tpu.enqueue_dma source(%arg3 : memref<128x128xf32, #tpu.memory_space<hbm>>) target(%arg7 : memref<128x128xf32, #tpu.memory_space<vmem>>) target_semaphore(%run_scoped3A : memref<!tpu.dma_semaphore, #tpu.memory_space<semaphore_mem>>)
      tpu.wait_dma2 semaphore(%run_scoped3A : memref<!tpu.dma_semaphore, #tpu.memory_space<semaphore_mem>>) src(%arg3 : memref<128x128xf32, #tpu.memory_space<hbm>>) dst(%arg7 : memref<128x128xf32, #tpu.memory_space<vmem>>)
      tpu.yield
    }) : () -> ()
    %mul3A_3 = arith.constant 80 : i32
    %mul3A_4 = arith.muli %add3A, %mul3A_3 : i32
    "tpu.region"() ({
      %run_scoped3A = tpu.sem_alloc : memref<!tpu.dma_semaphore, #tpu.memory_space<semaphore_mem>>
      %dma_start3A = arith.constant 0 : i32
      %dma_start3A_15 = tpu.memref_slice %arg2[%mul3A_4, %dma_start3A] : memref<2560x128xi32, #tpu.memory_space<hbm>> -> memref<80x128xi32, #tpu.memory_space<hbm>>
      %dma_start3A_16 = arith.constant 0 : i32
      %dma_start3A_17 = tpu.memref_slice %arg2[%mul3A_4, %dma_start3A_16] : memref<2560x128xi32, #tpu.memory_space<hbm>> -> memref<80x128xi32, #tpu.memory_space<hbm>>
      tpu.enqueue_dma source(%dma_start3A_17 : memref<80x128xi32, #tpu.memory_space<hbm>>) target(%arg6 : memref<80x128xi32, #tpu.memory_space<vmem>>) target_semaphore(%run_scoped3A : memref<!tpu.dma_semaphore, #tpu.memory_space<semaphore_mem>>)
      %dma_wait3A = arith.constant 0 : i32
      %dma_wait3A_18 = tpu.memref_slice %arg2[%mul3A_4, %dma_wait3A] : memref<2560x128xi32, #tpu.memory_space<hbm>> -> memref<80x128xi32, #tpu.memory_space<hbm>>
      %dma_wait3A_19 = arith.constant 0 : i32
      %dma_wait3A_20 = tpu.memref_slice %arg2[%mul3A_4, %dma_wait3A_19] : memref<2560x128xi32, #tpu.memory_space<hbm>> -> memref<80x128xi32, #tpu.memory_space<hbm>>
      tpu.wait_dma2 semaphore(%run_scoped3A : memref<!tpu.dma_semaphore, #tpu.memory_space<semaphore_mem>>) src(%dma_wait3A_20 : memref<80x128xi32, #tpu.memory_space<hbm>>) dst(%arg6 : memref<80x128xi32, #tpu.memory_space<vmem>>)
      tpu.yield
    }) : () -> ()
    %barrier3A = arith.constant 0 : index
    tpu.barrier barrier_id(%barrier3A)
    %scan3A = arith.constant 0 : i32
    %scan3A_5 = arith.constant 0 : i32
    %scan3A_6 = arith.constant 80 : i32
    %scan3A_7 = arith.addi %scan3A_5, %scan3A_6 : i32
    %scan3A_8 = arith.constant 1 : i32
    scf.for %scan3A_15 = %scan3A_5 to %scan3A_7 step %scan3A_8  : i32 {
      "tpu.region"() ({
        %run_scoped3A = tpu.sem_alloc : memref<!tpu.dma_semaphore, #tpu.memory_space<semaphore_mem>>
        %dma_start3A = arith.constant 0 : i32
        %dma_start3A_16 = tpu.memref_slice %arg6[%scan3A_15, %dma_start3A] : memref<80x128xi32, #tpu.memory_space<vmem>> -> memref<1x128xi32, #tpu.memory_space<vmem>>
        %dma_start3A_17 = tpu.memref_squeeze %dma_start3A_16 : memref<1x128xi32, #tpu.memory_space<vmem>> -> memref<128xi32, #tpu.memory_space<vmem>>
        %dma_start3A_18 = arith.constant 0 : i32
        %dma_start3A_19 = arith.constant 0 : i32
        %dma_start3A_20 = tpu.memref_slice %arg8[%dma_start3A_18, %dma_start3A_19] : memref<10112x128xf32, #tpu.memory_space<vmem_shared>> -> memref<10112x128xf32, #tpu.memory_space<vmem_shared>>
        tpu.enqueue_indirect_dma source(%arg7 : memref<128x128xf32, #tpu.memory_space<vmem>>) target(%dma_start3A_20 : memref<10112x128xf32, #tpu.memory_space<vmem_shared>>) offsets(%dma_start3A_17 : memref<128xi32, #tpu.memory_space<vmem>>) semaphore(%run_scoped3A : memref<!tpu.dma_semaphore, #tpu.memory_space<semaphore_mem>>) {add = true}
        %dma_wait3A = arith.constant 0 : i32
        %dma_wait3A_21 = tpu.memref_slice %arg6[%scan3A_15, %dma_wait3A] : memref<80x128xi32, #tpu.memory_space<vmem>> -> memref<1x128xi32, #tpu.memory_space<vmem>>
        %dma_wait3A_22 = tpu.memref_squeeze %dma_wait3A_21 : memref<1x128xi32, #tpu.memory_space<vmem>> -> memref<128xi32, #tpu.memory_space<vmem>>
        %dma_wait3A_23 = arith.constant 0 : i32
        %dma_wait3A_24 = arith.constant 0 : i32
        %dma_wait3A_25 = tpu.memref_slice %arg8[%dma_wait3A_23, %dma_wait3A_24] : memref<10112x128xf32, #tpu.memory_space<vmem_shared>> -> memref<10112x128xf32, #tpu.memory_space<vmem_shared>>
        tpu.wait_indirect_dma semaphore(%run_scoped3A : memref<!tpu.dma_semaphore, #tpu.memory_space<semaphore_mem>>) src(%arg7 : memref<128x128xf32, #tpu.memory_space<vmem>>) dst(%dma_wait3A_25 : memref<10112x128xf32, #tpu.memory_space<vmem_shared>>)
        tpu.yield
      }) : () -> ()
    }
    %scan3A_9 = arith.constant 80 : i32
    %barrier3A_10 = arith.constant 0 : index
    tpu.barrier barrier_id(%barrier3A_10)
    %mul3A_11 = arith.constant 632 : i32
    %mul3A_12 = arith.muli %arg1, %mul3A_11 : i32
    %mul3A_13 = arith.constant 632 : i32
    %mul3A_14 = arith.muli %arg1, %mul3A_13 : i32
    "tpu.region"() ({
      %run_scoped3A = tpu.sem_alloc : memref<!tpu.dma_semaphore, #tpu.memory_space<semaphore_mem>>
      %dma_start3A = arith.constant 0 : i32
      %dma_start3A_15 = tpu.memref_slice %arg5[%arg0, %mul3A_14, %dma_start3A] : memref<2x10112x128xf32, #tpu.memory_space<hbm>> -> memref<1x632x128xf32, #tpu.memory_space<hbm>>
      %dma_start3A_16 = tpu.memref_squeeze %dma_start3A_15 : memref<1x632x128xf32, #tpu.memory_space<hbm>> -> memref<632x128xf32, #tpu.memory_space<hbm>>
      %dma_start3A_17 = arith.constant 0 : i32
      %dma_start3A_18 = tpu.memref_slice %arg8[%mul3A_12, %dma_start3A_17] : memref<10112x128xf32, #tpu.memory_space<vmem_shared>> -> memref<632x128xf32, #tpu.memory_space<vmem_shared>>
      tpu.enqueue_dma source(%dma_start3A_18 : memref<632x128xf32, #tpu.memory_space<vmem_shared>>) target(%dma_start3A_16 : memref<632x128xf32, #tpu.memory_space<hbm>>) target_semaphore(%run_scoped3A : memref<!tpu.dma_semaphore, #tpu.memory_space<semaphore_mem>>)
      %dma_wait3A = arith.constant 0 : i32
      %dma_wait3A_19 = tpu.memref_slice %arg5[%arg0, %mul3A_14, %dma_wait3A] : memref<2x10112x128xf32, #tpu.memory_space<hbm>> -> memref<1x632x128xf32, #tpu.memory_space<hbm>>
      %dma_wait3A_20 = tpu.memref_squeeze %dma_wait3A_19 : memref<1x632x128xf32, #tpu.memory_space<hbm>> -> memref<632x128xf32, #tpu.memory_space<hbm>>
      %dma_wait3A_21 = arith.constant 0 : i32
      %dma_wait3A_22 = tpu.memref_slice %arg8[%mul3A_12, %dma_wait3A_21] : memref<10112x128xf32, #tpu.memory_space<vmem_shared>> -> memref<632x128xf32, #tpu.memory_space<vmem_shared>>
      tpu.wait_dma2 semaphore(%run_scoped3A : memref<!tpu.dma_semaphore, #tpu.memory_space<semaphore_mem>>) src(%dma_wait3A_22 : memref<632x128xf32, #tpu.memory_space<vmem_shared>>) dst(%dma_wait3A_20 : memref<632x128xf32, #tpu.memory_space<hbm>>)
      tpu.yield
    }) : () -> ()
    return
  }
}

#map = affine_map<(d0, d1) -> (0, 0)>
#map1 = affine_map<(d0, d1) -> (0, 0, 0)>
module attributes {stable_mosaic.version = 14 : i64} {
  func.func @_segsum(%arg0: i32, %arg1: i32, %arg2: memref<10112x128xf32, #tpu.memory_space<hbm>>, %arg3: memref<2560x128xi32, #tpu.memory_space<hbm>>, %arg4: memref<2560x128xi32, #tpu.memory_space<hbm>>, %arg5: memref<632x128xf32, #tpu.memory_space<hbm>>, %arg6: memref<2x10112x128xf32, #tpu.memory_space<hbm>>, %arg7: memref<80x128xi32, #tpu.memory_space<vmem>>, %arg8: memref<80x128xi32, #tpu.memory_space<vmem>>, %arg9: memref<128x128xf32, #tpu.memory_space<vmem>>, %arg10: memref<10112x128xf32, #tpu.memory_space<vmem_shared>>) attributes {dimension_semantics = [#tpu.dimension_semantics<core_parallel>, #tpu.dimension_semantics<subcore_parallel>], iteration_bounds = array<i64: 2, 16>, scalar_prefetch = 0 : i64, scratch_operands = 4 : i64, tpu.core_type = #tpu.core_type<sc_vector_subcore>, window_params = [{transform_indices = #map}, {transform_indices = #map}, {transform_indices = #map}, {transform_indices = #map}, {transform_indices = #map1}]} {
    %mul3A = arith.constant 16 : i32
    %mul3A_0 = arith.muli %arg0, %mul3A : i32
    %add3A = arith.addi %mul3A_0, %arg1 : i32
    %mul3A_1 = arith.constant 80 : i32
    %mul3A_2 = arith.muli %add3A, %mul3A_1 : i32
    %mul3A_3 = arith.constant 632 : i32
    %mul3A_4 = arith.muli %arg1, %mul3A_3 : i32
    "tpu.region"() ({
      %run_scoped3A = tpu.sem_alloc : memref<!tpu.dma_semaphore, #tpu.memory_space<semaphore_mem>>
      %dma_start3A = arith.constant 0 : i32
      %dma_start3A_15 = tpu.memref_slice %arg10[%mul3A_4, %dma_start3A] : memref<10112x128xf32, #tpu.memory_space<vmem_shared>> -> memref<632x128xf32, #tpu.memory_space<vmem_shared>>
      tpu.enqueue_dma source(%arg5 : memref<632x128xf32, #tpu.memory_space<hbm>>) target(%dma_start3A_15 : memref<632x128xf32, #tpu.memory_space<vmem_shared>>) target_semaphore(%run_scoped3A : memref<!tpu.dma_semaphore, #tpu.memory_space<semaphore_mem>>)
      %dma_wait3A = arith.constant 0 : i32
      %dma_wait3A_16 = tpu.memref_slice %arg10[%mul3A_4, %dma_wait3A] : memref<10112x128xf32, #tpu.memory_space<vmem_shared>> -> memref<632x128xf32, #tpu.memory_space<vmem_shared>>
      tpu.wait_dma2 semaphore(%run_scoped3A : memref<!tpu.dma_semaphore, #tpu.memory_space<semaphore_mem>>) src(%arg5 : memref<632x128xf32, #tpu.memory_space<hbm>>) dst(%dma_wait3A_16 : memref<632x128xf32, #tpu.memory_space<vmem_shared>>)
      tpu.yield
    }) : () -> ()
    "tpu.region"() ({
      %run_scoped3A = tpu.sem_alloc : memref<!tpu.dma_semaphore, #tpu.memory_space<semaphore_mem>>
      %dma_start3A = arith.constant 0 : i32
      %dma_start3A_15 = tpu.memref_slice %arg3[%mul3A_2, %dma_start3A] : memref<2560x128xi32, #tpu.memory_space<hbm>> -> memref<80x128xi32, #tpu.memory_space<hbm>>
      %dma_start3A_16 = arith.constant 0 : i32
      %dma_start3A_17 = tpu.memref_slice %arg3[%mul3A_2, %dma_start3A_16] : memref<2560x128xi32, #tpu.memory_space<hbm>> -> memref<80x128xi32, #tpu.memory_space<hbm>>
      tpu.enqueue_dma source(%dma_start3A_17 : memref<80x128xi32, #tpu.memory_space<hbm>>) target(%arg7 : memref<80x128xi32, #tpu.memory_space<vmem>>) target_semaphore(%run_scoped3A : memref<!tpu.dma_semaphore, #tpu.memory_space<semaphore_mem>>)
      %dma_wait3A = arith.constant 0 : i32
      %dma_wait3A_18 = tpu.memref_slice %arg3[%mul3A_2, %dma_wait3A] : memref<2560x128xi32, #tpu.memory_space<hbm>> -> memref<80x128xi32, #tpu.memory_space<hbm>>
      %dma_wait3A_19 = arith.constant 0 : i32
      %dma_wait3A_20 = tpu.memref_slice %arg3[%mul3A_2, %dma_wait3A_19] : memref<2560x128xi32, #tpu.memory_space<hbm>> -> memref<80x128xi32, #tpu.memory_space<hbm>>
      tpu.wait_dma2 semaphore(%run_scoped3A : memref<!tpu.dma_semaphore, #tpu.memory_space<semaphore_mem>>) src(%dma_wait3A_20 : memref<80x128xi32, #tpu.memory_space<hbm>>) dst(%arg7 : memref<80x128xi32, #tpu.memory_space<vmem>>)
      tpu.yield
    }) : () -> ()
    "tpu.region"() ({
      %run_scoped3A = tpu.sem_alloc : memref<!tpu.dma_semaphore, #tpu.memory_space<semaphore_mem>>
      %dma_start3A = arith.constant 0 : i32
      %dma_start3A_15 = tpu.memref_slice %arg4[%mul3A_2, %dma_start3A] : memref<2560x128xi32, #tpu.memory_space<hbm>> -> memref<80x128xi32, #tpu.memory_space<hbm>>
      %dma_start3A_16 = arith.constant 0 : i32
      %dma_start3A_17 = tpu.memref_slice %arg4[%mul3A_2, %dma_start3A_16] : memref<2560x128xi32, #tpu.memory_space<hbm>> -> memref<80x128xi32, #tpu.memory_space<hbm>>
      tpu.enqueue_dma source(%dma_start3A_17 : memref<80x128xi32, #tpu.memory_space<hbm>>) target(%arg8 : memref<80x128xi32, #tpu.memory_space<vmem>>) target_semaphore(%run_scoped3A : memref<!tpu.dma_semaphore, #tpu.memory_space<semaphore_mem>>)
      %dma_wait3A = arith.constant 0 : i32
      %dma_wait3A_18 = tpu.memref_slice %arg4[%mul3A_2, %dma_wait3A] : memref<2560x128xi32, #tpu.memory_space<hbm>> -> memref<80x128xi32, #tpu.memory_space<hbm>>
      %dma_wait3A_19 = arith.constant 0 : i32
      %dma_wait3A_20 = tpu.memref_slice %arg4[%mul3A_2, %dma_wait3A_19] : memref<2560x128xi32, #tpu.memory_space<hbm>> -> memref<80x128xi32, #tpu.memory_space<hbm>>
      tpu.wait_dma2 semaphore(%run_scoped3A : memref<!tpu.dma_semaphore, #tpu.memory_space<semaphore_mem>>) src(%dma_wait3A_20 : memref<80x128xi32, #tpu.memory_space<hbm>>) dst(%arg8 : memref<80x128xi32, #tpu.memory_space<vmem>>)
      tpu.yield
    }) : () -> ()
    %barrier3A = arith.constant 0 : index
    tpu.barrier barrier_id(%barrier3A)
    %scan3A = arith.constant 0 : i32
    %scan3A_5 = arith.constant 0 : i32
    %scan3A_6 = arith.constant 80 : i32
    %scan3A_7 = arith.addi %scan3A_5, %scan3A_6 : i32
    %scan3A_8 = arith.constant 1 : i32
    scf.for %scan3A_15 = %scan3A_5 to %scan3A_7 step %scan3A_8  : i32 {
      "tpu.region"() ({
        %run_scoped3A = tpu.sem_alloc : memref<!tpu.dma_semaphore, #tpu.memory_space<semaphore_mem>>
        %dma_start3A = arith.constant 0 : i32
        %dma_start3A_16 = tpu.memref_slice %arg7[%scan3A_15, %dma_start3A] : memref<80x128xi32, #tpu.memory_space<vmem>> -> memref<1x128xi32, #tpu.memory_space<vmem>>
        %dma_start3A_17 = tpu.memref_squeeze %dma_start3A_16 : memref<1x128xi32, #tpu.memory_space<vmem>> -> memref<128xi32, #tpu.memory_space<vmem>>
        %dma_start3A_18 = arith.constant 0 : i32
        %dma_start3A_19 = arith.constant 0 : i32
        %dma_start3A_20 = tpu.memref_slice %arg2[%dma_start3A_18, %dma_start3A_19] : memref<10112x128xf32, #tpu.memory_space<hbm>> -> memref<10112x128xf32, #tpu.memory_space<hbm>>
        tpu.enqueue_indirect_dma source(%dma_start3A_20 : memref<10112x128xf32, #tpu.memory_space<hbm>>) target(%arg9 : memref<128x128xf32, #tpu.memory_space<vmem>>) offsets(%dma_start3A_17 : memref<128xi32, #tpu.memory_space<vmem>>) semaphore(%run_scoped3A : memref<!tpu.dma_semaphore, #tpu.memory_space<semaphore_mem>>)
        %dma_wait3A = arith.constant 0 : i32
        %dma_wait3A_21 = tpu.memref_slice %arg7[%scan3A_15, %dma_wait3A] : memref<80x128xi32, #tpu.memory_space<vmem>> -> memref<1x128xi32, #tpu.memory_space<vmem>>
        %dma_wait3A_22 = tpu.memref_squeeze %dma_wait3A_21 : memref<1x128xi32, #tpu.memory_space<vmem>> -> memref<128xi32, #tpu.memory_space<vmem>>
        %dma_wait3A_23 = arith.constant 0 : i32
        %dma_wait3A_24 = arith.constant 0 : i32
        %dma_wait3A_25 = tpu.memref_slice %arg2[%dma_wait3A_23, %dma_wait3A_24] : memref<10112x128xf32, #tpu.memory_space<hbm>> -> memref<10112x128xf32, #tpu.memory_space<hbm>>
        tpu.wait_indirect_dma semaphore(%run_scoped3A : memref<!tpu.dma_semaphore, #tpu.memory_space<semaphore_mem>>) src(%dma_wait3A_25 : memref<10112x128xf32, #tpu.memory_space<hbm>>) dst(%arg9 : memref<128x128xf32, #tpu.memory_space<vmem>>)
        tpu.yield
      }) : () -> ()
      "tpu.region"() ({
        %run_scoped3A = tpu.sem_alloc : memref<!tpu.dma_semaphore, #tpu.memory_space<semaphore_mem>>
        %dma_start3A = arith.constant 0 : i32
        %dma_start3A_16 = tpu.memref_slice %arg8[%scan3A_15, %dma_start3A] : memref<80x128xi32, #tpu.memory_space<vmem>> -> memref<1x128xi32, #tpu.memory_space<vmem>>
        %dma_start3A_17 = tpu.memref_squeeze %dma_start3A_16 : memref<1x128xi32, #tpu.memory_space<vmem>> -> memref<128xi32, #tpu.memory_space<vmem>>
        %dma_start3A_18 = arith.constant 0 : i32
        %dma_start3A_19 = arith.constant 0 : i32
        %dma_start3A_20 = tpu.memref_slice %arg10[%dma_start3A_18, %dma_start3A_19] : memref<10112x128xf32, #tpu.memory_space<vmem_shared>> -> memref<10112x128xf32, #tpu.memory_space<vmem_shared>>
        tpu.enqueue_indirect_dma source(%arg9 : memref<128x128xf32, #tpu.memory_space<vmem>>) target(%dma_start3A_20 : memref<10112x128xf32, #tpu.memory_space<vmem_shared>>) offsets(%dma_start3A_17 : memref<128xi32, #tpu.memory_space<vmem>>) semaphore(%run_scoped3A : memref<!tpu.dma_semaphore, #tpu.memory_space<semaphore_mem>>) {add = true}
        %dma_wait3A = arith.constant 0 : i32
        %dma_wait3A_21 = tpu.memref_slice %arg8[%scan3A_15, %dma_wait3A] : memref<80x128xi32, #tpu.memory_space<vmem>> -> memref<1x128xi32, #tpu.memory_space<vmem>>
        %dma_wait3A_22 = tpu.memref_squeeze %dma_wait3A_21 : memref<1x128xi32, #tpu.memory_space<vmem>> -> memref<128xi32, #tpu.memory_space<vmem>>
        %dma_wait3A_23 = arith.constant 0 : i32
        %dma_wait3A_24 = arith.constant 0 : i32
        %dma_wait3A_25 = tpu.memref_slice %arg10[%dma_wait3A_23, %dma_wait3A_24] : memref<10112x128xf32, #tpu.memory_space<vmem_shared>> -> memref<10112x128xf32, #tpu.memory_space<vmem_shared>>
        tpu.wait_indirect_dma semaphore(%run_scoped3A : memref<!tpu.dma_semaphore, #tpu.memory_space<semaphore_mem>>) src(%arg9 : memref<128x128xf32, #tpu.memory_space<vmem>>) dst(%dma_wait3A_25 : memref<10112x128xf32, #tpu.memory_space<vmem_shared>>)
        tpu.yield
      }) : () -> ()
    }
    %scan3A_9 = arith.constant 80 : i32
    %barrier3A_10 = arith.constant 0 : index
    tpu.barrier barrier_id(%barrier3A_10)
    %mul3A_11 = arith.constant 632 : i32
    %mul3A_12 = arith.muli %arg1, %mul3A_11 : i32
    %mul3A_13 = arith.constant 632 : i32
    %mul3A_14 = arith.muli %arg1, %mul3A_13 : i32
    "tpu.region"() ({
      %run_scoped3A = tpu.sem_alloc : memref<!tpu.dma_semaphore, #tpu.memory_space<semaphore_mem>>
      %dma_start3A = arith.constant 0 : i32
      %dma_start3A_15 = tpu.memref_slice %arg6[%arg0, %mul3A_14, %dma_start3A] : memref<2x10112x128xf32, #tpu.memory_space<hbm>> -> memref<1x632x128xf32, #tpu.memory_space<hbm>>
      %dma_start3A_16 = tpu.memref_squeeze %dma_start3A_15 : memref<1x632x128xf32, #tpu.memory_space<hbm>> -> memref<632x128xf32, #tpu.memory_space<hbm>>
      %dma_start3A_17 = arith.constant 0 : i32
      %dma_start3A_18 = tpu.memref_slice %arg10[%mul3A_12, %dma_start3A_17] : memref<10112x128xf32, #tpu.memory_space<vmem_shared>> -> memref<632x128xf32, #tpu.memory_space<vmem_shared>>
      tpu.enqueue_dma source(%dma_start3A_18 : memref<632x128xf32, #tpu.memory_space<vmem_shared>>) target(%dma_start3A_16 : memref<632x128xf32, #tpu.memory_space<hbm>>) target_semaphore(%run_scoped3A : memref<!tpu.dma_semaphore, #tpu.memory_space<semaphore_mem>>)
      %dma_wait3A = arith.constant 0 : i32
      %dma_wait3A_19 = tpu.memref_slice %arg6[%arg0, %mul3A_14, %dma_wait3A] : memref<2x10112x128xf32, #tpu.memory_space<hbm>> -> memref<1x632x128xf32, #tpu.memory_space<hbm>>
      %dma_wait3A_20 = tpu.memref_squeeze %dma_wait3A_19 : memref<1x632x128xf32, #tpu.memory_space<hbm>> -> memref<632x128xf32, #tpu.memory_space<hbm>>
      %dma_wait3A_21 = arith.constant 0 : i32
      %dma_wait3A_22 = tpu.memref_slice %arg10[%mul3A_12, %dma_wait3A_21] : memref<10112x128xf32, #tpu.memory_space<vmem_shared>> -> memref<632x128xf32, #tpu.memory_space<vmem_shared>>
      tpu.wait_dma2 semaphore(%run_scoped3A : memref<!tpu.dma_semaphore, #tpu.memory_space<semaphore_mem>>) src(%dma_wait3A_22 : memref<632x128xf32, #tpu.memory_space<vmem_shared>>) dst(%dma_wait3A_20 : memref<632x128xf32, #tpu.memory_space<hbm>>)
      tpu.yield
    }) : () -> ()
    return
  }
}

#map = affine_map<(d0, d1) -> (0, 0)>
#map1 = affine_map<(d0, d1) -> (0, 0, 0)>
module attributes {stable_mosaic.version = 14 : i64} {
  func.func @_segsum(%arg0: i32, %arg1: i32, %arg2: memref<10112x128xf32, #tpu.memory_space<hbm>>, %arg3: memref<2560x128xi32, #tpu.memory_space<hbm>>, %arg4: memref<2560x128xi32, #tpu.memory_space<hbm>>, %arg5: memref<632x128xf32, #tpu.memory_space<hbm>>, %arg6: memref<2x10112x128xf32, #tpu.memory_space<hbm>>, %arg7: memref<80x128xi32, #tpu.memory_space<vmem>>, %arg8: memref<80x128xi32, #tpu.memory_space<vmem>>, %arg9: memref<128x128xf32, #tpu.memory_space<vmem>>, %arg10: memref<10112x128xf32, #tpu.memory_space<vmem_shared>>) attributes {dimension_semantics = [#tpu.dimension_semantics<core_parallel>, #tpu.dimension_semantics<subcore_parallel>], iteration_bounds = array<i64: 2, 16>, scalar_prefetch = 0 : i64, scratch_operands = 4 : i64, tpu.core_type = #tpu.core_type<sc_vector_subcore>, window_params = [{transform_indices = #map}, {transform_indices = #map}, {transform_indices = #map}, {transform_indices = #map}, {transform_indices = #map1}]} {
    %mul3A = arith.constant 16 : i32
    %mul3A_0 = arith.muli %arg0, %mul3A : i32
    %add3A = arith.addi %mul3A_0, %arg1 : i32
    %mul3A_1 = arith.constant 80 : i32
    %mul3A_2 = arith.muli %add3A, %mul3A_1 : i32
    %mul3A_3 = arith.constant 632 : i32
    %mul3A_4 = arith.muli %arg1, %mul3A_3 : i32
    "tpu.region"() ({
      %run_scoped3A = tpu.sem_alloc : memref<!tpu.dma_semaphore, #tpu.memory_space<semaphore_mem>>
      %dma_start3A = arith.constant 0 : i32
      %dma_start3A_15 = tpu.memref_slice %arg10[%mul3A_4, %dma_start3A] : memref<10112x128xf32, #tpu.memory_space<vmem_shared>> -> memref<632x128xf32, #tpu.memory_space<vmem_shared>>
      tpu.enqueue_dma source(%arg5 : memref<632x128xf32, #tpu.memory_space<hbm>>) target(%dma_start3A_15 : memref<632x128xf32, #tpu.memory_space<vmem_shared>>) target_semaphore(%run_scoped3A : memref<!tpu.dma_semaphore, #tpu.memory_space<semaphore_mem>>)
      %dma_wait3A = arith.constant 0 : i32
      %dma_wait3A_16 = tpu.memref_slice %arg10[%mul3A_4, %dma_wait3A] : memref<10112x128xf32, #tpu.memory_space<vmem_shared>> -> memref<632x128xf32, #tpu.memory_space<vmem_shared>>
      tpu.wait_dma2 semaphore(%run_scoped3A : memref<!tpu.dma_semaphore, #tpu.memory_space<semaphore_mem>>) src(%arg5 : memref<632x128xf32, #tpu.memory_space<hbm>>) dst(%dma_wait3A_16 : memref<632x128xf32, #tpu.memory_space<vmem_shared>>)
      tpu.yield
    }) : () -> ()
    "tpu.region"() ({
      %run_scoped3A = tpu.sem_alloc : memref<!tpu.dma_semaphore, #tpu.memory_space<semaphore_mem>>
      %dma_start3A = arith.constant 0 : i32
      %dma_start3A_15 = tpu.memref_slice %arg3[%mul3A_2, %dma_start3A] : memref<2560x128xi32, #tpu.memory_space<hbm>> -> memref<80x128xi32, #tpu.memory_space<hbm>>
      %dma_start3A_16 = arith.constant 0 : i32
      %dma_start3A_17 = tpu.memref_slice %arg3[%mul3A_2, %dma_start3A_16] : memref<2560x128xi32, #tpu.memory_space<hbm>> -> memref<80x128xi32, #tpu.memory_space<hbm>>
      tpu.enqueue_dma source(%dma_start3A_17 : memref<80x128xi32, #tpu.memory_space<hbm>>) target(%arg7 : memref<80x128xi32, #tpu.memory_space<vmem>>) target_semaphore(%run_scoped3A : memref<!tpu.dma_semaphore, #tpu.memory_space<semaphore_mem>>)
      %dma_wait3A = arith.constant 0 : i32
      %dma_wait3A_18 = tpu.memref_slice %arg3[%mul3A_2, %dma_wait3A] : memref<2560x128xi32, #tpu.memory_space<hbm>> -> memref<80x128xi32, #tpu.memory_space<hbm>>
      %dma_wait3A_19 = arith.constant 0 : i32
      %dma_wait3A_20 = tpu.memref_slice %arg3[%mul3A_2, %dma_wait3A_19] : memref<2560x128xi32, #tpu.memory_space<hbm>> -> memref<80x128xi32, #tpu.memory_space<hbm>>
      tpu.wait_dma2 semaphore(%run_scoped3A : memref<!tpu.dma_semaphore, #tpu.memory_space<semaphore_mem>>) src(%dma_wait3A_20 : memref<80x128xi32, #tpu.memory_space<hbm>>) dst(%arg7 : memref<80x128xi32, #tpu.memory_space<vmem>>)
      tpu.yield
    }) : () -> ()
    "tpu.region"() ({
      %run_scoped3A = tpu.sem_alloc : memref<!tpu.dma_semaphore, #tpu.memory_space<semaphore_mem>>
      %dma_start3A = arith.constant 0 : i32
      %dma_start3A_15 = tpu.memref_slice %arg4[%mul3A_2, %dma_start3A] : memref<2560x128xi32, #tpu.memory_space<hbm>> -> memref<80x128xi32, #tpu.memory_space<hbm>>
      %dma_start3A_16 = arith.constant 0 : i32
      %dma_start3A_17 = tpu.memref_slice %arg4[%mul3A_2, %dma_start3A_16] : memref<2560x128xi32, #tpu.memory_space<hbm>> -> memref<80x128xi32, #tpu.memory_space<hbm>>
      tpu.enqueue_dma source(%dma_start3A_17 : memref<80x128xi32, #tpu.memory_space<hbm>>) target(%arg8 : memref<80x128xi32, #tpu.memory_space<vmem>>) target_semaphore(%run_scoped3A : memref<!tpu.dma_semaphore, #tpu.memory_space<semaphore_mem>>)
      %dma_wait3A = arith.constant 0 : i32
      %dma_wait3A_18 = tpu.memref_slice %arg4[%mul3A_2, %dma_wait3A] : memref<2560x128xi32, #tpu.memory_space<hbm>> -> memref<80x128xi32, #tpu.memory_space<hbm>>
      %dma_wait3A_19 = arith.constant 0 : i32
      %dma_wait3A_20 = tpu.memref_slice %arg4[%mul3A_2, %dma_wait3A_19] : memref<2560x128xi32, #tpu.memory_space<hbm>> -> memref<80x128xi32, #tpu.memory_space<hbm>>
      tpu.wait_dma2 semaphore(%run_scoped3A : memref<!tpu.dma_semaphore, #tpu.memory_space<semaphore_mem>>) src(%dma_wait3A_20 : memref<80x128xi32, #tpu.memory_space<hbm>>) dst(%arg8 : memref<80x128xi32, #tpu.memory_space<vmem>>)
      tpu.yield
    }) : () -> ()
    %barrier3A = arith.constant 0 : index
    tpu.barrier barrier_id(%barrier3A)
    %scan3A = arith.constant 0 : i32
    %scan3A_5 = arith.constant 0 : i32
    %scan3A_6 = arith.constant 80 : i32
    %scan3A_7 = arith.addi %scan3A_5, %scan3A_6 : i32
    %scan3A_8 = arith.constant 1 : i32
    scf.for %scan3A_15 = %scan3A_5 to %scan3A_7 step %scan3A_8  : i32 {
      "tpu.region"() ({
        %run_scoped3A = tpu.sem_alloc : memref<!tpu.dma_semaphore, #tpu.memory_space<semaphore_mem>>
        %dma_start3A = arith.constant 0 : i32
        %dma_start3A_16 = tpu.memref_slice %arg7[%scan3A_15, %dma_start3A] : memref<80x128xi32, #tpu.memory_space<vmem>> -> memref<1x128xi32, #tpu.memory_space<vmem>>
        %dma_start3A_17 = tpu.memref_squeeze %dma_start3A_16 : memref<1x128xi32, #tpu.memory_space<vmem>> -> memref<128xi32, #tpu.memory_space<vmem>>
        %dma_start3A_18 = arith.constant 0 : i32
        %dma_start3A_19 = arith.constant 0 : i32
        %dma_start3A_20 = tpu.memref_slice %arg2[%dma_start3A_18, %dma_start3A_19] : memref<10112x128xf32, #tpu.memory_space<hbm>> -> memref<10112x128xf32, #tpu.memory_space<hbm>>
        tpu.enqueue_indirect_dma source(%dma_start3A_20 : memref<10112x128xf32, #tpu.memory_space<hbm>>) target(%arg9 : memref<128x128xf32, #tpu.memory_space<vmem>>) offsets(%dma_start3A_17 : memref<128xi32, #tpu.memory_space<vmem>>) semaphore(%run_scoped3A : memref<!tpu.dma_semaphore, #tpu.memory_space<semaphore_mem>>)
        %dma_wait3A = arith.constant 0 : i32
        %dma_wait3A_21 = tpu.memref_slice %arg7[%scan3A_15, %dma_wait3A] : memref<80x128xi32, #tpu.memory_space<vmem>> -> memref<1x128xi32, #tpu.memory_space<vmem>>
        %dma_wait3A_22 = tpu.memref_squeeze %dma_wait3A_21 : memref<1x128xi32, #tpu.memory_space<vmem>> -> memref<128xi32, #tpu.memory_space<vmem>>
        %dma_wait3A_23 = arith.constant 0 : i32
        %dma_wait3A_24 = arith.constant 0 : i32
        %dma_wait3A_25 = tpu.memref_slice %arg2[%dma_wait3A_23, %dma_wait3A_24] : memref<10112x128xf32, #tpu.memory_space<hbm>> -> memref<10112x128xf32, #tpu.memory_space<hbm>>
        tpu.wait_indirect_dma semaphore(%run_scoped3A : memref<!tpu.dma_semaphore, #tpu.memory_space<semaphore_mem>>) src(%dma_wait3A_25 : memref<10112x128xf32, #tpu.memory_space<hbm>>) dst(%arg9 : memref<128x128xf32, #tpu.memory_space<vmem>>)
        tpu.yield
      }) : () -> ()
      "tpu.region"() ({
        %run_scoped3A = tpu.sem_alloc : memref<!tpu.dma_semaphore, #tpu.memory_space<semaphore_mem>>
        %dma_start3A = arith.constant 0 : i32
        %dma_start3A_16 = tpu.memref_slice %arg8[%scan3A_15, %dma_start3A] : memref<80x128xi32, #tpu.memory_space<vmem>> -> memref<1x128xi32, #tpu.memory_space<vmem>>
        %dma_start3A_17 = tpu.memref_squeeze %dma_start3A_16 : memref<1x128xi32, #tpu.memory_space<vmem>> -> memref<128xi32, #tpu.memory_space<vmem>>
        %dma_start3A_18 = arith.constant 0 : i32
        %dma_start3A_19 = arith.constant 0 : i32
        %dma_start3A_20 = tpu.memref_slice %arg10[%dma_start3A_18, %dma_start3A_19] : memref<10112x128xf32, #tpu.memory_space<vmem_shared>> -> memref<10112x128xf32, #tpu.memory_space<vmem_shared>>
        tpu.enqueue_indirect_dma source(%arg9 : memref<128x128xf32, #tpu.memory_space<vmem>>) target(%dma_start3A_20 : memref<10112x128xf32, #tpu.memory_space<vmem_shared>>) offsets(%dma_start3A_17 : memref<128xi32, #tpu.memory_space<vmem>>) semaphore(%run_scoped3A : memref<!tpu.dma_semaphore, #tpu.memory_space<semaphore_mem>>) {add = true}
        %dma_wait3A = arith.constant 0 : i32
        %dma_wait3A_21 = tpu.memref_slice %arg8[%scan3A_15, %dma_wait3A] : memref<80x128xi32, #tpu.memory_space<vmem>> -> memref<1x128xi32, #tpu.memory_space<vmem>>
        %dma_wait3A_22 = tpu.memref_squeeze %dma_wait3A_21 : memref<1x128xi32, #tpu.memory_space<vmem>> -> memref<128xi32, #tpu.memory_space<vmem>>
        %dma_wait3A_23 = arith.constant 0 : i32
        %dma_wait3A_24 = arith.constant 0 : i32
        %dma_wait3A_25 = tpu.memref_slice %arg10[%dma_wait3A_23, %dma_wait3A_24] : memref<10112x128xf32, #tpu.memory_space<vmem_shared>> -> memref<10112x128xf32, #tpu.memory_space<vmem_shared>>
        tpu.wait_indirect_dma semaphore(%run_scoped3A : memref<!tpu.dma_semaphore, #tpu.memory_space<semaphore_mem>>) src(%arg9 : memref<128x128xf32, #tpu.memory_space<vmem>>) dst(%dma_wait3A_25 : memref<10112x128xf32, #tpu.memory_space<vmem_shared>>)
        tpu.yield
      }) : () -> ()
    }
    %scan3A_9 = arith.constant 80 : i32
    %barrier3A_10 = arith.constant 0 : index
    tpu.barrier barrier_id(%barrier3A_10)
    %mul3A_11 = arith.constant 632 : i32
    %mul3A_12 = arith.muli %arg1, %mul3A_11 : i32
    %mul3A_13 = arith.constant 632 : i32
    %mul3A_14 = arith.muli %arg1, %mul3A_13 : i32
    "tpu.region"() ({
      %run_scoped3A = tpu.sem_alloc : memref<!tpu.dma_semaphore, #tpu.memory_space<semaphore_mem>>
      %dma_start3A = arith.constant 0 : i32
      %dma_start3A_15 = tpu.memref_slice %arg6[%arg0, %mul3A_14, %dma_start3A] : memref<2x10112x128xf32, #tpu.memory_space<hbm>> -> memref<1x632x128xf32, #tpu.memory_space<hbm>>
      %dma_start3A_16 = tpu.memref_squeeze %dma_start3A_15 : memref<1x632x128xf32, #tpu.memory_space<hbm>> -> memref<632x128xf32, #tpu.memory_space<hbm>>
      %dma_start3A_17 = arith.constant 0 : i32
      %dma_start3A_18 = tpu.memref_slice %arg10[%mul3A_12, %dma_start3A_17] : memref<10112x128xf32, #tpu.memory_space<vmem_shared>> -> memref<632x128xf32, #tpu.memory_space<vmem_shared>>
      tpu.enqueue_dma source(%dma_start3A_18 : memref<632x128xf32, #tpu.memory_space<vmem_shared>>) target(%dma_start3A_16 : memref<632x128xf32, #tpu.memory_space<hbm>>) target_semaphore(%run_scoped3A : memref<!tpu.dma_semaphore, #tpu.memory_space<semaphore_mem>>)
      %dma_wait3A = arith.constant 0 : i32
      %dma_wait3A_19 = tpu.memref_slice %arg6[%arg0, %mul3A_14, %dma_wait3A] : memref<2x10112x128xf32, #tpu.memory_space<hbm>> -> memref<1x632x128xf32, #tpu.memory_space<hbm>>
      %dma_wait3A_20 = tpu.memref_squeeze %dma_wait3A_19 : memref<1x632x128xf32, #tpu.memory_space<hbm>> -> memref<632x128xf32, #tpu.memory_space<hbm>>
      %dma_wait3A_21 = arith.constant 0 : i32
      %dma_wait3A_22 = tpu.memref_slice %arg10[%mul3A_12, %dma_wait3A_21] : memref<10112x128xf32, #tpu.memory_space<vmem_shared>> -> memref<632x128xf32, #tpu.memory_space<vmem_shared>>
      tpu.wait_dma2 semaphore(%run_scoped3A : memref<!tpu.dma_semaphore, #tpu.memory_space<semaphore_mem>>) src(%dma_wait3A_22 : memref<632x128xf32, #tpu.memory_space<vmem_shared>>) dst(%dma_wait3A_20 : memref<632x128xf32, #tpu.memory_space<hbm>>)
      tpu.yield
    }) : () -> ()
    return
  }
}

module attributes {stable_mosaic.version = 14 : i64} {
  func.func @body(%arg0: i32, %arg1: memref<1264x128xf32, #tpu.memory_space<vmem>>, %arg2: memref<1264x128xf32, #tpu.memory_space<vmem>>, %arg3: memref<1264x1xf32, #tpu.memory_space<vmem>>) attributes {dimension_semantics = [#tpu.dimension_semantics<arbitrary>], iteration_bounds = array<i64: 8>, scalar_prefetch = 0 : i64, scratch_operands = 0 : i64, tpu.core_type = #tpu.core_type<tc>, window_params = [{transform_indices = @transform_0, window_bounds = array<i64: 1264, 128>}, {transform_indices = @transform_1, window_bounds = array<i64: 1264, 128>}, {transform_indices = @transform_2, window_bounds = array<i64: 1264, 1>}]} {
    %get3A = arith.constant 0 : index
    %get3A_0 = arith.constant 0 : index
    %get3A_1 = vector.load %arg1[%get3A, %get3A_0] : memref<1264x128xf32, #tpu.memory_space<vmem>>, vector<1264x1xf32>
    %get3A_2 = arith.constant 0 : index
    %get3A_3 = arith.constant 0 : index
    %get3A_4 = vector.load %arg2[%get3A_2, %get3A_3] : memref<1264x128xf32, #tpu.memory_space<vmem>>, vector<1264x1xf32>
    %add3A = arith.addf %get3A_1, %get3A_4 : vector<1264x1xf32>
    %max3A = arith.constant 1.000000e+00 : f32
    %max3A_5 = vector.broadcast %max3A : f32 to vector<1264x1xf32>
    %max3A_6 = arith.maximumf %add3A, %max3A_5 : vector<1264x1xf32>
    %div3A = arith.constant 1.000000e+00 : f32
    %div3A_7 = vector.broadcast %div3A : f32 to vector<1264x1xf32>
    %div3A_8 = arith.divf %div3A_7, %max3A_6 : vector<1264x1xf32>
    %swap3A = arith.constant 0 : index
    %swap3A_9 = arith.constant 0 : index
    %swap3A_10 = vector.load %arg3[%swap3A, %swap3A_9] : memref<1264x1xf32, #tpu.memory_space<vmem>>, vector<1264x1xf32>
    tpu.vector_store %arg3[%swap3A, %swap3A_9], %div3A_8 {strides = array<i32>} : memref<1264x1xf32, #tpu.memory_space<vmem>>, vector<1264x1xf32>,
    return
  }
  func.func @transform_0(%arg0: i32) -> (i32, i32) {
    %c0_i32 = arith.constant 0 : i32
    %c0_i32_0 = arith.constant 0 : i32
    return %arg0, %c0_i32 : i32, i32
  }
  func.func @transform_1(%arg0: i32) -> (i32, i32) {
    %c0_i32 = arith.constant 0 : i32
    %c0_i32_0 = arith.constant 0 : i32
    return %arg0, %c0_i32 : i32, i32
  }
  func.func @transform_2(%arg0: i32) -> (i32, i32) {
    %c0_i32 = arith.constant 0 : i32
    %c0_i32_0 = arith.constant 0 : i32
    return %arg0, %c0_i32 : i32, i32
  }
}

module attributes {stable_mosaic.version = 14 : i64} {
  func.func @body(%arg0: i32, %arg1: memref<1264x128xf32, #tpu.memory_space<vmem>>, %arg2: memref<128x128xf32, #tpu.memory_space<vmem>>, %arg3: memref<128x128xf32, #tpu.memory_space<vmem>>, %arg4: memref<1x128xf32, #tpu.memory_space<vmem>>, %arg5: memref<1264x128xf32, #tpu.memory_space<vmem>>, %arg6: memref<1264x128xf32, #tpu.memory_space<vmem>>) attributes {dimension_semantics = [#tpu.dimension_semantics<arbitrary>], iteration_bounds = array<i64: 8>, scalar_prefetch = 0 : i64, scratch_operands = 0 : i64, tpu.core_type = #tpu.core_type<tc>, window_params = [{transform_indices = @transform_0, window_bounds = array<i64: 1264, 128>}, {pipeline_mode = #tpu.pipeline_mode<synchronous>, transform_indices = @transform_1, window_bounds = array<i64: 128, 128>}, {pipeline_mode = #tpu.pipeline_mode<synchronous>, transform_indices = @transform_2, window_bounds = array<i64: 128, 128>}, {pipeline_mode = #tpu.pipeline_mode<synchronous>, transform_indices = @transform_3, window_bounds = array<i64: 1, 128>}, {transform_indices = @transform_4, window_bounds = array<i64: 1264, 128>}, {transform_indices = @transform_5, window_bounds = array<i64: 1264, 128>}]} {
    %get3A = arith.constant 0 : index
    %get3A_0 = arith.constant 0 : index
    %get3A_1 = vector.load %arg1[%get3A, %get3A_0] : memref<1264x128xf32, #tpu.memory_space<vmem>>, vector<1264x128xf32>
    %get3A_2 = arith.constant 0 : index
    %get3A_3 = arith.constant 0 : index
    %get3A_4 = vector.load %arg2[%get3A_2, %get3A_3] : memref<128x128xf32, #tpu.memory_space<vmem>>, vector<128x128xf32>
    %dot_general3A = arith.constant dense<0.000000e+00> : vector<1264x128xf32>
    %dot_general3A_5 = tpu.matmul %get3A_1, %get3A_4, %dot_general3A {dimension_numbers = #tpu.dot_dimension_numbers<[1], [0], [0], [1], [0, 0, 1, 1], [], []>, transpose_lhs_hint = false} : vector<1264x128xf32>, vector<128x128xf32>, vector<1264x128xf32> -> vector<1264x128xf32>
    %swap3A = arith.constant 0 : index
    %swap3A_6 = arith.constant 0 : index
    %swap3A_7 = vector.load %arg5[%swap3A, %swap3A_6] : memref<1264x128xf32, #tpu.memory_space<vmem>>, vector<1264x128xf32>
    tpu.vector_store %arg5[%swap3A, %swap3A_6], %dot_general3A_5 {strides = array<i32>} : memref<1264x128xf32, #tpu.memory_space<vmem>>, vector<1264x128xf32>,
    %get3A_8 = arith.constant 0 : index
    %get3A_9 = arith.constant 0 : index
    %get3A_10 = vector.load %arg3[%get3A_8, %get3A_9] : memref<128x128xf32, #tpu.memory_space<vmem>>, vector<128x128xf32>
    %dot_general3A_11 = arith.constant dense<0.000000e+00> : vector<1264x128xf32>
    %dot_general3A_12 = tpu.matmul %get3A_1, %get3A_10, %dot_general3A_11 {dimension_numbers = #tpu.dot_dimension_numbers<[1], [0], [0], [1], [0, 0, 1, 1], [], []>, transpose_lhs_hint = false} : vector<1264x128xf32>, vector<128x128xf32>, vector<1264x128xf32> -> vector<1264x128xf32>
    %get3A_13 = arith.constant 0 : index
    %get3A_14 = arith.constant 0 : index
    %get3A_15 = vector.load %arg4[%get3A_13, %get3A_14] : memref<1x128xf32, #tpu.memory_space<vmem>>, vector<1x128xf32>
    %add3A = vector.broadcast %get3A_15 : vector<1x128xf32> to vector<1264x128xf32>
    %add3A_16 = arith.addf %dot_general3A_12, %add3A : vector<1264x128xf32>
    %swap3A_17 = arith.constant 0 : index
    %swap3A_18 = arith.constant 0 : index
    %swap3A_19 = vector.load %arg6[%swap3A_17, %swap3A_18] : memref<1264x128xf32, #tpu.memory_space<vmem>>, vector<1264x128xf32>
    tpu.vector_store %arg6[%swap3A_17, %swap3A_18], %add3A_16 {strides = array<i32>} : memref<1264x128xf32, #tpu.memory_space<vmem>>, vector<1264x128xf32>,
    return
  }
  func.func @transform_0(%arg0: i32) -> (i32, i32) {
    %c0_i32 = arith.constant 0 : i32
    %c0_i32_0 = arith.constant 0 : i32
    return %arg0, %c0_i32 : i32, i32
  }
  func.func @transform_1(%arg0: i32) -> (i32, i32) {
    %c0_i32 = arith.constant 0 : i32
    %c0_i32_0 = arith.constant 0 : i32
    %c0_i32_1 = arith.constant 0 : i32
    return %c0_i32, %c0_i32_0 : i32, i32
  }
  func.func @transform_2(%arg0: i32) -> (i32, i32) {
    %c0_i32 = arith.constant 0 : i32
    %c0_i32_0 = arith.constant 0 : i32
    %c0_i32_1 = arith.constant 0 : i32
    return %c0_i32, %c0_i32_0 : i32, i32
  }
  func.func @transform_3(%arg0: i32) -> (i32, i32) {
    %c0_i32 = arith.constant 0 : i32
    %c0_i32_0 = arith.constant 0 : i32
    %c0_i32_1 = arith.constant 0 : i32
    return %c0_i32, %c0_i32_0 : i32, i32
  }
  func.func @transform_4(%arg0: i32) -> (i32, i32) {
    %c0_i32 = arith.constant 0 : i32
    %c0_i32_0 = arith.constant 0 : i32
    return %arg0, %c0_i32 : i32, i32
  }
  func.func @transform_5(%arg0: i32) -> (i32, i32) {
    %c0_i32 = arith.constant 0 : i32
    %c0_i32_0 = arith.constant 0 : i32
    return %arg0, %c0_i32 : i32, i32
  }
}

module attributes {stable_mosaic.version = 14 : i64} {
  func.func @body(%arg0: i32, %arg1: memref<1264x128xf32, #tpu.memory_space<vmem>>, %arg2: memref<1264x128xf32, #tpu.memory_space<vmem>>, %arg3: memref<1264x128xf32, #tpu.memory_space<vmem>>, %arg4: memref<1264x1xf32, #tpu.memory_space<vmem>>, %arg5: memref<128x128xf32, #tpu.memory_space<vmem>>, %arg6: memref<128x128xf32, #tpu.memory_space<vmem>>, %arg7: memref<1x128xf32, #tpu.memory_space<vmem>>, %arg8: memref<1264x128xf32, #tpu.memory_space<vmem>>, %arg9: memref<1264x128xf32, #tpu.memory_space<vmem>>) attributes {dimension_semantics = [#tpu.dimension_semantics<arbitrary>], iteration_bounds = array<i64: 8>, scalar_prefetch = 0 : i64, scratch_operands = 0 : i64, tpu.core_type = #tpu.core_type<tc>, window_params = [{transform_indices = @transform_0, window_bounds = array<i64: 1264, 128>}, {transform_indices = @transform_1, window_bounds = array<i64: 1264, 128>}, {transform_indices = @transform_2, window_bounds = array<i64: 1264, 128>}, {transform_indices = @transform_3, window_bounds = array<i64: 1264, 1>}, {pipeline_mode = #tpu.pipeline_mode<synchronous>, transform_indices = @transform_4, window_bounds = array<i64: 128, 128>}, {pipeline_mode = #tpu.pipeline_mode<synchronous>, transform_indices = @transform_5, window_bounds = array<i64: 128, 128>}, {pipeline_mode = #tpu.pipeline_mode<synchronous>, transform_indices = @transform_6, window_bounds = array<i64: 1, 128>}, {transform_indices = @transform_7, window_bounds = array<i64: 1264, 128>}, {transform_indices = @transform_8, window_bounds = array<i64: 1264, 128>}]} {
    %get3A = arith.constant 0 : index
    %get3A_0 = arith.constant 0 : index
    %get3A_1 = vector.load %arg1[%get3A, %get3A_0] : memref<1264x128xf32, #tpu.memory_space<vmem>>, vector<1264x128xf32>
    %get3A_2 = arith.constant 0 : index
    %get3A_3 = arith.constant 0 : index
    %get3A_4 = vector.load %arg2[%get3A_2, %get3A_3] : memref<1264x128xf32, #tpu.memory_space<vmem>>, vector<1264x128xf32>
    %add3A = arith.addf %get3A_1, %get3A_4 : vector<1264x128xf32>
    %get3A_5 = arith.constant 0 : index
    %get3A_6 = arith.constant 0 : index
    %get3A_7 = vector.load %arg3[%get3A_5, %get3A_6] : memref<1264x128xf32, #tpu.memory_space<vmem>>, vector<1264x128xf32>
    %get3A_8 = arith.constant 0 : index
    %get3A_9 = arith.constant 0 : index
    %get3A_10 = vector.load %arg4[%get3A_8, %get3A_9] : memref<1264x1xf32, #tpu.memory_space<vmem>>, vector<1264x1xf32>
    %mul3A = vector.broadcast %get3A_10 : vector<1264x1xf32> to vector<1264x128xf32>
    %mul3A_11 = arith.mulf %add3A, %mul3A : vector<1264x128xf32>
    %add3A_12 = arith.addf %get3A_7, %mul3A_11 : vector<1264x128xf32>
    %max3A = arith.constant 0.000000e+00 : f32
    %max3A_13 = vector.broadcast %max3A : f32 to vector<1264x128xf32>
    %max3A_14 = arith.maximumf %add3A_12, %max3A_13 : vector<1264x128xf32>
    %get3A_15 = arith.constant 0 : index
    %get3A_16 = arith.constant 0 : index
    %get3A_17 = vector.load %arg5[%get3A_15, %get3A_16] : memref<128x128xf32, #tpu.memory_space<vmem>>, vector<128x128xf32>
    %dot_general3A = arith.constant dense<0.000000e+00> : vector<1264x128xf32>
    %dot_general3A_18 = tpu.matmul %max3A_14, %get3A_17, %dot_general3A {dimension_numbers = #tpu.dot_dimension_numbers<[1], [0], [0], [1], [0, 0, 1, 1], [], []>, transpose_lhs_hint = false} : vector<1264x128xf32>, vector<128x128xf32>, vector<1264x128xf32> -> vector<1264x128xf32>
    %swap3A = arith.constant 0 : index
    %swap3A_19 = arith.constant 0 : index
    %swap3A_20 = vector.load %arg8[%swap3A, %swap3A_19] : memref<1264x128xf32, #tpu.memory_space<vmem>>, vector<1264x128xf32>
    tpu.vector_store %arg8[%swap3A, %swap3A_19], %dot_general3A_18 {strides = array<i32>} : memref<1264x128xf32, #tpu.memory_space<vmem>>, vector<1264x128xf32>,
    %get3A_21 = arith.constant 0 : index
    %get3A_22 = arith.constant 0 : index
    %get3A_23 = vector.load %arg6[%get3A_21, %get3A_22] : memref<128x128xf32, #tpu.memory_space<vmem>>, vector<128x128xf32>
    %dot_general3A_24 = arith.constant dense<0.000000e+00> : vector<1264x128xf32>
    %dot_general3A_25 = tpu.matmul %max3A_14, %get3A_23, %dot_general3A_24 {dimension_numbers = #tpu.dot_dimension_numbers<[1], [0], [0], [1], [0, 0, 1, 1], [], []>, transpose_lhs_hint = false} : vector<1264x128xf32>, vector<128x128xf32>, vector<1264x128xf32> -> vector<1264x128xf32>
    %get3A_26 = arith.constant 0 : index
    %get3A_27 = arith.constant 0 : index
    %get3A_28 = vector.load %arg7[%get3A_26, %get3A_27] : memref<1x128xf32, #tpu.memory_space<vmem>>, vector<1x128xf32>
    %add3A_29 = vector.broadcast %get3A_28 : vector<1x128xf32> to vector<1264x128xf32>
    %add3A_30 = arith.addf %dot_general3A_25, %add3A_29 : vector<1264x128xf32>
    %swap3A_31 = arith.constant 0 : index
    %swap3A_32 = arith.constant 0 : index
    %swap3A_33 = vector.load %arg9[%swap3A_31, %swap3A_32] : memref<1264x128xf32, #tpu.memory_space<vmem>>, vector<1264x128xf32>
    tpu.vector_store %arg9[%swap3A_31, %swap3A_32], %add3A_30 {strides = array<i32>} : memref<1264x128xf32, #tpu.memory_space<vmem>>, vector<1264x128xf32>,
    return
  }
  func.func @transform_0(%arg0: i32) -> (i32, i32) {
    %c0_i32 = arith.constant 0 : i32
    %c0_i32_0 = arith.constant 0 : i32
    return %arg0, %c0_i32 : i32, i32
  }
  func.func @transform_1(%arg0: i32) -> (i32, i32) {
    %c0_i32 = arith.constant 0 : i32
    %c0_i32_0 = arith.constant 0 : i32
    return %arg0, %c0_i32 : i32, i32
  }
  func.func @transform_2(%arg0: i32) -> (i32, i32) {
    %c0_i32 = arith.constant 0 : i32
    %c0_i32_0 = arith.constant 0 : i32
    return %arg0, %c0_i32 : i32, i32
  }
  func.func @transform_3(%arg0: i32) -> (i32, i32) {
    %c0_i32 = arith.constant 0 : i32
    %c0_i32_0 = arith.constant 0 : i32
    return %arg0, %c0_i32 : i32, i32
  }
  func.func @transform_4(%arg0: i32) -> (i32, i32) {
    %c0_i32 = arith.constant 0 : i32
    %c0_i32_0 = arith.constant 0 : i32
    %c0_i32_1 = arith.constant 0 : i32
    return %c0_i32, %c0_i32_0 : i32, i32
  }
  func.func @transform_5(%arg0: i32) -> (i32, i32) {
    %c0_i32 = arith.constant 0 : i32
    %c0_i32_0 = arith.constant 0 : i32
    %c0_i32_1 = arith.constant 0 : i32
    return %c0_i32, %c0_i32_0 : i32, i32
  }
  func.func @transform_6(%arg0: i32) -> (i32, i32) {
    %c0_i32 = arith.constant 0 : i32
    %c0_i32_0 = arith.constant 0 : i32
    %c0_i32_1 = arith.constant 0 : i32
    return %c0_i32, %c0_i32_0 : i32, i32
  }
  func.func @transform_7(%arg0: i32) -> (i32, i32) {
    %c0_i32 = arith.constant 0 : i32
    %c0_i32_0 = arith.constant 0 : i32
    return %arg0, %c0_i32 : i32, i32
  }
  func.func @transform_8(%arg0: i32) -> (i32, i32) {
    %c0_i32 = arith.constant 0 : i32
    %c0_i32_0 = arith.constant 0 : i32
    return %arg0, %c0_i32 : i32, i32
  }
}

module attributes {stable_mosaic.version = 14 : i64} {
  func.func @body(%arg0: i32, %arg1: memref<1264x128xf32, #tpu.memory_space<vmem>>, %arg2: memref<1264x128xf32, #tpu.memory_space<vmem>>, %arg3: memref<1264x128xf32, #tpu.memory_space<vmem>>, %arg4: memref<1264x1xf32, #tpu.memory_space<vmem>>, %arg5: memref<128x128xf32, #tpu.memory_space<vmem>>, %arg6: memref<128x64xf32, #tpu.memory_space<vmem>>, %arg7: memref<1x64xf32, #tpu.memory_space<vmem>>, %arg8: memref<1264x128xf32, #tpu.memory_space<vmem>>, %arg9: memref<1264x64xf32, #tpu.memory_space<vmem>>) attributes {dimension_semantics = [#tpu.dimension_semantics<arbitrary>], iteration_bounds = array<i64: 8>, scalar_prefetch = 0 : i64, scratch_operands = 0 : i64, tpu.core_type = #tpu.core_type<tc>, window_params = [{transform_indices = @transform_0, window_bounds = array<i64: 1264, 128>}, {transform_indices = @transform_1, window_bounds = array<i64: 1264, 128>}, {transform_indices = @transform_2, window_bounds = array<i64: 1264, 128>}, {transform_indices = @transform_3, window_bounds = array<i64: 1264, 1>}, {pipeline_mode = #tpu.pipeline_mode<synchronous>, transform_indices = @transform_4, window_bounds = array<i64: 128, 128>}, {pipeline_mode = #tpu.pipeline_mode<synchronous>, transform_indices = @transform_5, window_bounds = array<i64: 128, 64>}, {pipeline_mode = #tpu.pipeline_mode<synchronous>, transform_indices = @transform_6, window_bounds = array<i64: 1, 64>}, {transform_indices = @transform_7, window_bounds = array<i64: 1264, 128>}, {transform_indices = @transform_8, window_bounds = array<i64: 1264, 64>}]} {
    %get3A = arith.constant 0 : index
    %get3A_0 = arith.constant 0 : index
    %get3A_1 = vector.load %arg1[%get3A, %get3A_0] : memref<1264x128xf32, #tpu.memory_space<vmem>>, vector<1264x128xf32>
    %get3A_2 = arith.constant 0 : index
    %get3A_3 = arith.constant 0 : index
    %get3A_4 = vector.load %arg2[%get3A_2, %get3A_3] : memref<1264x128xf32, #tpu.memory_space<vmem>>, vector<1264x128xf32>
    %add3A = arith.addf %get3A_1, %get3A_4 : vector<1264x128xf32>
    %get3A_5 = arith.constant 0 : index
    %get3A_6 = arith.constant 0 : index
    %get3A_7 = vector.load %arg3[%get3A_5, %get3A_6] : memref<1264x128xf32, #tpu.memory_space<vmem>>, vector<1264x128xf32>
    %get3A_8 = arith.constant 0 : index
    %get3A_9 = arith.constant 0 : index
    %get3A_10 = vector.load %arg4[%get3A_8, %get3A_9] : memref<1264x1xf32, #tpu.memory_space<vmem>>, vector<1264x1xf32>
    %mul3A = vector.broadcast %get3A_10 : vector<1264x1xf32> to vector<1264x128xf32>
    %mul3A_11 = arith.mulf %add3A, %mul3A : vector<1264x128xf32>
    %add3A_12 = arith.addf %get3A_7, %mul3A_11 : vector<1264x128xf32>
    %max3A = arith.constant 0.000000e+00 : f32
    %max3A_13 = vector.broadcast %max3A : f32 to vector<1264x128xf32>
    %max3A_14 = arith.maximumf %add3A_12, %max3A_13 : vector<1264x128xf32>
    %get3A_15 = arith.constant 0 : index
    %get3A_16 = arith.constant 0 : index
    %get3A_17 = vector.load %arg5[%get3A_15, %get3A_16] : memref<128x128xf32, #tpu.memory_space<vmem>>, vector<128x128xf32>
    %dot_general3A = arith.constant dense<0.000000e+00> : vector<1264x128xf32>
    %dot_general3A_18 = tpu.matmul %max3A_14, %get3A_17, %dot_general3A {dimension_numbers = #tpu.dot_dimension_numbers<[1], [0], [0], [1], [0, 0, 1, 1], [], []>, transpose_lhs_hint = false} : vector<1264x128xf32>, vector<128x128xf32>, vector<1264x128xf32> -> vector<1264x128xf32>
    %swap3A = arith.constant 0 : index
    %swap3A_19 = arith.constant 0 : index
    %swap3A_20 = vector.load %arg8[%swap3A, %swap3A_19] : memref<1264x128xf32, #tpu.memory_space<vmem>>, vector<1264x128xf32>
    tpu.vector_store %arg8[%swap3A, %swap3A_19], %dot_general3A_18 {strides = array<i32>} : memref<1264x128xf32, #tpu.memory_space<vmem>>, vector<1264x128xf32>,
    %get3A_21 = arith.constant 0 : index
    %get3A_22 = arith.constant 0 : index
    %get3A_23 = vector.load %arg6[%get3A_21, %get3A_22] : memref<128x64xf32, #tpu.memory_space<vmem>>, vector<128x64xf32>
    %dot_general3A_24 = arith.constant dense<0.000000e+00> : vector<1264x64xf32>
    %dot_general3A_25 = tpu.matmul %max3A_14, %get3A_23, %dot_general3A_24 {dimension_numbers = #tpu.dot_dimension_numbers<[1], [0], [0], [1], [0, 0, 1, 1], [], []>, transpose_lhs_hint = false} : vector<1264x128xf32>, vector<128x64xf32>, vector<1264x64xf32> -> vector<1264x64xf32>
    %get3A_26 = arith.constant 0 : index
    %get3A_27 = arith.constant 0 : index
    %get3A_28 = vector.load %arg7[%get3A_26, %get3A_27] : memref<1x64xf32, #tpu.memory_space<vmem>>, vector<1x64xf32>
    %add3A_29 = vector.broadcast %get3A_28 : vector<1x64xf32> to vector<1264x64xf32>
    %add3A_30 = arith.addf %dot_general3A_25, %add3A_29 : vector<1264x64xf32>
    %swap3A_31 = arith.constant 0 : index
    %swap3A_32 = arith.constant 0 : index
    %swap3A_33 = vector.load %arg9[%swap3A_31, %swap3A_32] : memref<1264x64xf32, #tpu.memory_space<vmem>>, vector<1264x64xf32>
    tpu.vector_store %arg9[%swap3A_31, %swap3A_32], %add3A_30 {strides = array<i32>} : memref<1264x64xf32, #tpu.memory_space<vmem>>, vector<1264x64xf32>,
    return
  }
  func.func @transform_0(%arg0: i32) -> (i32, i32) {
    %c0_i32 = arith.constant 0 : i32
    %c0_i32_0 = arith.constant 0 : i32
    return %arg0, %c0_i32 : i32, i32
  }
  func.func @transform_1(%arg0: i32) -> (i32, i32) {
    %c0_i32 = arith.constant 0 : i32
    %c0_i32_0 = arith.constant 0 : i32
    return %arg0, %c0_i32 : i32, i32
  }
  func.func @transform_2(%arg0: i32) -> (i32, i32) {
    %c0_i32 = arith.constant 0 : i32
    %c0_i32_0 = arith.constant 0 : i32
    return %arg0, %c0_i32 : i32, i32
  }
  func.func @transform_3(%arg0: i32) -> (i32, i32) {
    %c0_i32 = arith.constant 0 : i32
    %c0_i32_0 = arith.constant 0 : i32
    return %arg0, %c0_i32 : i32, i32
  }
  func.func @transform_4(%arg0: i32) -> (i32, i32) {
    %c0_i32 = arith.constant 0 : i32
    %c0_i32_0 = arith.constant 0 : i32
    %c0_i32_1 = arith.constant 0 : i32
    return %c0_i32, %c0_i32_0 : i32, i32
  }
  func.func @transform_5(%arg0: i32) -> (i32, i32) {
    %c0_i32 = arith.constant 0 : i32
    %c0_i32_0 = arith.constant 0 : i32
    %c0_i32_1 = arith.constant 0 : i32
    return %c0_i32, %c0_i32_0 : i32, i32
  }
  func.func @transform_6(%arg0: i32) -> (i32, i32) {
    %c0_i32 = arith.constant 0 : i32
    %c0_i32_0 = arith.constant 0 : i32
    %c0_i32_1 = arith.constant 0 : i32
    return %c0_i32, %c0_i32_0 : i32, i32
  }
  func.func @transform_7(%arg0: i32) -> (i32, i32) {
    %c0_i32 = arith.constant 0 : i32
    %c0_i32_0 = arith.constant 0 : i32
    return %arg0, %c0_i32 : i32, i32
  }
  func.func @transform_8(%arg0: i32) -> (i32, i32) {
    %c0_i32 = arith.constant 0 : i32
    %c0_i32_0 = arith.constant 0 : i32
    return %arg0, %c0_i32 : i32, i32
  }
}

module attributes {stable_mosaic.version = 14 : i64} {
  func.func @body(%arg0: i32, %arg1: memref<1264x128xf32, #tpu.memory_space<vmem>>, %arg2: memref<1264x128xf32, #tpu.memory_space<vmem>>, %arg3: memref<1264x64xf32, #tpu.memory_space<vmem>>, %arg4: memref<1264x1xf32, #tpu.memory_space<vmem>>, %arg5: memref<1264x64xf32, #tpu.memory_space<vmem>>) attributes {dimension_semantics = [#tpu.dimension_semantics<arbitrary>], iteration_bounds = array<i64: 8>, scalar_prefetch = 0 : i64, scratch_operands = 0 : i64, tpu.core_type = #tpu.core_type<tc>, window_params = [{transform_indices = @transform_0, window_bounds = array<i64: 1264, 128>}, {transform_indices = @transform_1, window_bounds = array<i64: 1264, 128>}, {transform_indices = @transform_2, window_bounds = array<i64: 1264, 64>}, {transform_indices = @transform_3, window_bounds = array<i64: 1264, 1>}, {transform_indices = @transform_4, window_bounds = array<i64: 1264, 64>}]} {
    %get3A = arith.constant 0 : index
    %get3A_0 = arith.constant 0 : index
    %get3A_1 = vector.load %arg1[%get3A, %get3A_0] : memref<1264x128xf32, #tpu.memory_space<vmem>>, vector<1264x64xf32>
    %get3A_2 = arith.constant 0 : index
    %get3A_3 = arith.constant 0 : index
    %get3A_4 = vector.load %arg2[%get3A_2, %get3A_3] : memref<1264x128xf32, #tpu.memory_space<vmem>>, vector<1264x64xf32>
    %add3A = arith.addf %get3A_1, %get3A_4 : vector<1264x64xf32>
    %get3A_5 = arith.constant 0 : index
    %get3A_6 = arith.constant 0 : index
    %get3A_7 = vector.load %arg3[%get3A_5, %get3A_6] : memref<1264x64xf32, #tpu.memory_space<vmem>>, vector<1264x64xf32>
    %get3A_8 = arith.constant 0 : index
    %get3A_9 = arith.constant 0 : index
    %get3A_10 = vector.load %arg4[%get3A_8, %get3A_9] : memref<1264x1xf32, #tpu.memory_space<vmem>>, vector<1264x1xf32>
    %mul3A = vector.broadcast %get3A_10 : vector<1264x1xf32> to vector<1264x64xf32>
    %mul3A_11 = arith.mulf %add3A, %mul3A : vector<1264x64xf32>
    %add3A_12 = arith.addf %get3A_7, %mul3A_11 : vector<1264x64xf32>
    %swap3A = arith.constant 0 : index
    %swap3A_13 = arith.constant 0 : index
    %swap3A_14 = vector.load %arg5[%swap3A, %swap3A_13] : memref<1264x64xf32, #tpu.memory_space<vmem>>, vector<1264x64xf32>
    tpu.vector_store %arg5[%swap3A, %swap3A_13], %add3A_12 {strides = array<i32>} : memref<1264x64xf32, #tpu.memory_space<vmem>>, vector<1264x64xf32>,
    return
  }
  func.func @transform_0(%arg0: i32) -> (i32, i32) {
    %c0_i32 = arith.constant 0 : i32
    %c0_i32_0 = arith.constant 0 : i32
    return %arg0, %c0_i32 : i32, i32
  }
  func.func @transform_1(%arg0: i32) -> (i32, i32) {
    %c0_i32 = arith.constant 0 : i32
    %c0_i32_0 = arith.constant 0 : i32
    return %arg0, %c0_i32 : i32, i32
  }
  func.func @transform_2(%arg0: i32) -> (i32, i32) {
    %c0_i32 = arith.constant 0 : i32
    %c0_i32_0 = arith.constant 0 : i32
    return %arg0, %c0_i32 : i32, i32
  }
  func.func @transform_3(%arg0: i32) -> (i32, i32) {
    %c0_i32 = arith.constant 0 : i32
    %c0_i32_0 = arith.constant 0 : i32
    return %arg0, %c0_i32 : i32, i32
  }
  func.func @transform_4(%arg0: i32) -> (i32, i32) {
    %c0_i32 = arith.constant 0 : i32
    %c0_i32_0 = arith.constant 0 : i32
    return %arg0, %c0_i32 : i32, i32
  }
}

</mosaic_0001>

<sc_bundles>
// kernel: kernel.11.cloned.1.call-start
scs
__scs_entry_jumppad:
0x0: {  	(pc) =	sbr.rel $0x88, $3  }
0x1: {  	(tag) =	ssettag $0x0;
	lr =	simm.s32 $0x1  }
0x2: {  	[smem:$0x3F96] =	sst lr;
	_ =	strace $0xD0000000  }
0x3: {  	_ = 	snop  }
0x4: {  	_ = 	snop  }
0x5: {  	_ = 	snop  }
0x6: {  	_ = 	snop  }
0x7: {  	_ = 	snop  }
__scs_overlays_trampoline_lowered:
0x8: {  	[smem:$0x3FA5] =	sst s0  }
0x9: {  	[smem:$0x3FA6] =	sst s1  }
0xa: {  	[smem:$0x3FA7] =	sst s2  }
0xb: {  	[smem:$0x3FA8] =	sst s3  }
0xc: {  	[smem:$0x3FA9] =	sst s4  }
0xd: {  	[smem:$0x3FAA] =	sst s5  }
0xe: {  	[smem:$0x3FAB] =	sst s6  }
0xf: {  	[smem:$0x3FAC] =	sst s7  }
0x10: {  	[smem:$0x3FAD] =	sst s8  }
0x11: {  	[smem:$0x3FAE] =	sst s9;
	s0 =	simm.s32 @!p0 $0x0  }
0x12: {  	s1 =	sld [smem:$0x3F94];
	s0 =	simm.s32 @p0 $0x1  }
0x13: {  	[smem:$0x3FAF] =	sst s0;
	s0 =	simm.s32 @!p1 $0x0  }
0x14: {  	s2 =	sld [smem:$0x3F93];
	s0 =	simm.s32 @p1 $0x1  }
0x15: {  	[smem:$0x3FB0] =	sst s0;
	s0 =	simm.s32 @!p2 $0x0  }
0x16: {  	s3 =	sld [smem:$0x3FDB];
	s0 =	simm.s32 @p2 $0x1  }
0x17: {  	s4 =	simm.s32 $0x1BF5;
	[smem:$0x3FB2] =	sst s0  }
0x18: {  	s0 =	sld [smem:$0x3F95];
	_ =	swait.ge [sflag:s4], $0x0  }
0x19: {  	s7 =	sld [smem:$0x3F96]  }
0x1a: {  	s8 =	sadd.s32 $0xFFFFE003, lr  }
0x1b: {  	s9 =	sadd.s32 $0xFFFFFEF7, lr;
	s5 =	simm.s32 $0xFFFFFFFF;
	p2 =	slt.u32 s8, $0xFFFFF086  }
0x1c: {  	p1 =	slt.u32 s9, $0xF7A;
	s5 =	simm.s32 @!p2 $0x0  }
0x1d: {  	s5 =	simm.s32 @p1 $0x1;
	p0 =	seq.s32 s7, s2  }
0x1e: {  	s7 =	smul.u32 @!p0 $0xF7A, s2;
	p2 =	seq.s32 @!p0 s5, $0x0  }
0x1f: {  	s9 =	smul.u32 $0xF7A, s1;
	s8 =	simm.s32 @!p0 $0x1BF5;
	p2 =	por !p2, p0  }
0x20: {  	[sflag:s8] =	ssyncset.s32 @!p0 $0xFFFFF086;
	s6 =	sadd.s32 @!p0 s3, s7;
	s7 =	simm.s32 @!p0 $0x108  }
0x21: {  	s3 =	sadd.s32 s3, s9;
	s6 =	sadd.s32 @!p0 $0x88, s6;
	s7 =	simm.s32 @p2 $0x1082  }
0x22: {  	[simem:s7], [sflag:s8] =	dma.local @!p0 [hbm:s6], $0xF7A  }
0x23: {  	s9 =	sor.u32 $0xD0000000, s2;
	s6 =	simm.s32 $0x108;
	_ =	swait.ge @!p0 [sflag:s8], $0x0  }
0x24: {  	s3 =	sadd.s32 $0x88, s3;
	s6 =	simm.s32 @!p1 $0x1082;
	[sflag:s4] =	ssyncset.s32 $0xFFFFF086  }
0x25: {  	[simem:s6], [sflag:s4] =	dma.local [hbm:s3], $0xF7A  }
0x26: {  	[smem:$0x3F96] =	sst s1;
	(tag) =	ssettag s2;
	_ =	strace s9  }
0x27: {  	s1 =	sld [smem:$0x3FA6]  }
0x28: {  	s2 =	sld [smem:$0x3FA7]  }
0x29: {  	s4 =	sld [smem:$0x3FA9]  }
0x2a: {  	p0 =	seq.s32 s5, $0x0;
	s5 =	sld [smem:$0x3FAA]  }
0x2b: {  	s6 =	sld [smem:$0x3FAB]  }
0x2c: {  	s7 =	sld [smem:$0x3FAC]  }
0x2d: {  	s3 =	simm.s32 $0x108;
	s8 =	sld [smem:$0x3FAD]  }
0x2e: {  	s3 =	simm.s32 @!p0 $0x1082;
	s9 =	sld [smem:$0x3FAE]  }
0x2f: {  	lr =	sadd.s32 s0, s3;
	s0 =	sld [smem:$0x3FA5]  }
0x30: {  	s3 =	sld [smem:$0x3FA8]  }
0x31: {  	[smem:$0x3FB1] =	sst s10  }
0x32: {  	s10 =	sld [smem:$0x3FAF];
	_ =	sdelay $0x3  }
0x33: {  	p0 =	seq.s32 s10, $0x1;
	s10 =	sld [smem:$0x3FB1];
	_ =	sdelay $0x3  }
0x34: {  	[smem:$0x3FB1] =	sst s10  }
0x35: {  	s10 =	sld [smem:$0x3FB0];
	_ =	sdelay $0x3  }
0x36: {  	p1 =	seq.s32 s10, $0x1;
	s10 =	sld [smem:$0x3FB1];
	_ =	sdelay $0x3  }
0x37: {  	[smem:$0x3FB1] =	sst s10  }
0x38: {  	s10 =	sld [smem:$0x3FB2]  }
0x39: {  	_ = 	snop;
	(pc) =	sbr.ind lr, $3  }
0x3a: {  	_ = 	snop  }
0x3b: {  	_ = 	snop  }
0x3c: {  	p2 =	seq.s32 s10, $0x1;
	s10 =	sld [smem:$0x3FB1]  }
0x3d: {  	_ =	shalt  }
0x3e: {  	_ =	shalt  }
0x3f: {  	_ =	shalt  }
0x40: {  	_ =	shalt  }
0x41: {  	_ =	shalt  }
0x42: {  	_ =	shalt  }
0x43: {  	_ =	shalt  }
0x44: {  	_ =	shalt  }
0x45: {  	_ =	shalt  }
0x46: {  	_ =	shalt  }
0x47: {  	_ =	shalt  }
0x48: {  	_ =	shalt  }
0x49: {  	_ =	shalt  }
0x4a: {  	_ =	shalt  }
0x4b: {  	_ =	shalt  }
0x4c: {  	_ =	shalt  }
0x4d: {  	_ =	shalt  }
0x4e: {  	_ =	shalt  }
0x4f: {  	_ =	shalt  }
0x50: {  	_ =	shalt  }
0x51: {  	_ =	shalt  }
0x52: {  	_ =	shalt  }
0x53: {  	_ =	shalt  }
0x54: {  	_ =	shalt  }
0x55: {  	_ =	shalt  }
0x56: {  	_ =	shalt  }
0x57: {  	_ =	shalt  }
0x58: {  	_ =	shalt  }
0x59: {  	_ =	shalt  }
0x5a: {  	_ =	shalt  }
0x5b: {  	_ =	shalt  }
0x5c: {  	_ =	shalt  }
0x5d: {  	_ =	shalt  }
0x5e: {  	_ =	shalt  }
0x5f: {  	_ =	shalt  }
0x60: {  	_ =	shalt  }
0x61: {  	_ =	shalt  }
0x62: {  	_ =	shalt  }
0x63: {  	_ =	shalt  }
0x64: {  	_ =	shalt  }
0x65: {  	_ =	shalt  }
0x66: {  	_ =	shalt  }
0x67: {  	_ =	shalt  }
0x68: {  	_ =	shalt  }
0x69: {  	_ =	shalt  }
0x6a: {  	_ =	shalt  }
0x6b: {  	_ =	shalt  }
0x6c: {  	_ =	shalt  }
0x6d: {  	_ =	shalt  }
0x6e: {  	_ =	shalt  }
0x6f: {  	_ =	shalt  }
0x70: {  	_ =	shalt  }
0x71: {  	_ =	shalt  }
0x72: {  	_ =	shalt  }
0x73: {  	_ =	shalt  }
0x74: {  	_ =	shalt  }
0x75: {  	_ =	shalt  }
0x76: {  	_ =	shalt  }
0x77: {  	_ =	shalt  }
0x78: {  	_ =	shalt  }
0x79: {  	_ =	shalt  }
0x7a: {  	_ =	shalt  }
0x7b: {  	_ =	shalt  }
0x7c: {  	_ =	shalt  }
0x7d: {  	_ =	shalt  }
0x7e: {  	_ =	shalt  }
0x7f: {  	_ =	shalt  }
0x80: {  	_ =	shalt  }
0x81: {  	_ =	shalt  }
0x82: {  	_ =	shalt  }
0x83: {  	_ =	shalt  }
0x84: {  	_ =	shalt  }
0x85: {  	_ =	shalt  }
0x86: {  	_ =	shalt  }
0x87: {  	_ =	shalt  }
.Lfunc_end0:
.L_simem_size_0:
called_computation_lowered:
.L_overlay_start_0:
0x88: {  	s2 =	sld [smem:$0x3FD9]  }
0x89: {  	s3 =	sld [smem:$0x3FFE];
	_ =	sdelay $0x1  }
0x8a: {  	s1 =	srdreg.scid  }
0x8b: {  	s0 =	sand.u32 $0x1, s1  }
0x8c: {  	s17 =	sshll.u32 s0, $0xA;
	s2 =	sadd.s32 s3, s2  }
0x8d: {  	s2 =	sadd.s32 s2, s17  }
0x8e: {  	[smem:$0x3FBD] =	sst s2  }
0x8f: {  	_ = 	snop  }
0x90: {  	s2 =	sld [smem:$0x3FD0];
	(tm) =	ssettm $0x1  }
0x91: {  	s18 =	sld [smem:$0x3FFB];
	_ =	sdelay $0x3  }
0x92: {  	_ =	strace s18  }
0x93: {  	s3 =	sld [smem:$0x3FFC];
	_ =	sdelay $0x3  }
0x94: {  	_ =	strace s3  }
0x95: {  	s3 =	sld [smem:$0x3FFD];
	_ =	sdelay $0x3  }
0x96: {  	_ =	strace s3  }
0x97: {  	_ =	strace $0x8FFFFFFF  }
0x98: {  	s19 =	sld [smem:$0x3FDB];
	_ =	sdelay $0x1  }
0x99: {  	s4 =	simm.s32 $_scs_section_size  }
0x9a: {  	s5 =	simm.s32 $_size__tile_overlayer_lowered;
	s6 =	simm.s32 $_tile_overlayer_lowered  }
0x9b: {  	s22 =	simm.s32 $0x1BFF;
	s21 =	sshll.u32 s6, $0x1;
	s3 =	sadd.s32 s4, s19  }
0x9c: {  	s7 =	simm.s32 $0x0;
	s20 =	sshll.u32 s5, $0x1;
	s5 =	sadd.s32 s21, s3  }
0x9d: {  	[timem:s7], [sflag:s22] =	dma.local [hbm:s5], s20  }
0x9e: {  	_ =	swait.ge [sflag:s22], s20  }
0x9f: {  	s4 =	ssub.s32 $0x0, s20;
	[sflag:s22] =	ssyncset.done $0x0  }
0xa0: {  	[sflag:s22] =	ssyncadd.s32 s4;
	_ =	sdelay $0x1  }
0xa1: {  	s23 =	simm.s32 $0x1B8B  }
0xa2: {  	_ =	swait.ge [sflag:s23], $0x1  }
0xa3: {  	[sflag:s23] =	ssyncset.done $0x0  }
0xa4: {  	s25 =	simm.s32 $0x1B8E;
	s24 =	sld [smem:$0x3FFE];
	[sflag:s23] =	ssyncadd.s32 $0xFFFFFFFF  }
0xa5: {  	s26 =	simm.s32 $execute0_lowered;
	[smem:$0x3FD2] =	sst s25  }
0xa6: {  	s5 =	sshll.u32 s26, $0x1;
	_ =	strace $0x80000046;
	[dreg:$0x1] =	wrdreg $0xFFFFFFFF  }
0xa7: {  	s28 =	simm.s32 $_size_execute0_lowered;
	s3 =	sadd.s32 s3, s5;
	[dreg:$0x0] =	wrdreg $0x0  }
0xa8: {  	s5 =	sshll.u32 s28, $0x1;
	[dreg:$0x2] =	wrdreg s3  }
0xa9: {  	[dreg:$0x3] =	wrdreg s5  }
0xaa: {  	[dreg:$0x4] =	wrdreg $0xC0  }
0xab: {  	_ =	task [dreg:s7], $0x5FFFF  }
0xac: {  	[dreg:$0x1] =	wrdreg $0xFFFFFFFF  }
0xad: {  	[dreg:$0x0] =	wrdreg $0x60  }
0xae: {  	[dreg:$0x2] =	wrdreg s2  }
0xaf: {  	[dreg:$0x3] =	wrdreg s24  }
0xb0: {  	[dreg:$0x4] =	wrdreg $0x68000  }
0xb1: {  	[dreg:$0x5] =	wrdreg $0x9  }
0xb2: {  	_ =	task.clear_ibuf [dreg:s7], $0x6FFFF;
	_ =	strace $0x90000046  }
0xb3: {  	s29 =	simm.s32 $0x9;
	_ =	strace $0x80000048  }
0xb4: {  	_ =	swait.ge [sflag:s29], $0x1  }
0xb5: {  	[sflag:s29] =	ssyncadd.s32 $0xFFFFFFFF  }
0xb6: {  	_ =	strace $0x90000048  }
0xb7: {  	_ =	sfence  }
0xb8: {  	s30 =	sld [smem:$0x0];
	_ =	sdelay $0x2  }
0xb9: {  	s31 =	sshll.u32 s1, $0xD;
	s1 =	sshrl.u32 s1, $0x2  }
0xba: {  	s3 =	sand.u32 $0x4000, s31;
	s1 =	sadd.s32 s1, s30  }
0xbb: {  	s0 =	sor.u32 s3, s0;
	s1 =	sshll.u32 s1, $0x11  }
0xbc: {  	s0 =	sor.u32 s1, s0  }
0xbd: {  	s0 =	sadd.s32 $0x8F2B, s0  }
0xbe: {  	[sflag:s0] =	ssyncadd.remote.s32 $0x1  }
0xbf: {  	_ =	sfence.sel $0xFFFF  }
0xc0: {  	[dreg:$0x0] =	wrdreg $0xFFFFFFFF;
	(pc) =	sbr.abs _section_cstart, $3  }
0xc1: {  	[dreg:$0x1] =	wrdreg $0xFFFFFFFF  }
0xc2: {  	_ =	task.clear_ibuf [dreg:s7], $0x2FFFF;
	_ =	strace $0x9FFFFFFF  }
0xc3: {  	(tm) =	ssettm $0x7FFFFFFF  }
tec
execute0_lowered:
.L_overlay_start_1:
0x0: {  	(tag) =	ssettag $0x1  }
0x1: {  	s7 =	rddreg [dreg:$0x0]  }
0x2: {  	s6 =	rddreg [dreg:$0x1]  }
0x3: {  	s1 =	rddreg [dreg:$0x2]  }
0x4: {  	s2 =	srdreg.scid;
	s0 =	rddreg [dreg:$0x3];
	s3 =	simm.s32 $0x0  }
0x5: {  	s12 =	simm.s32 $0x2800;
	s13 =	simm.s32 $0x80;
	s8 =	sand.u32 $0x1, s2  }
0x6: {  	s14 =	simm.s32 $0x0;
	s2 =	stileid.u32;
	s9 =	smul.u32 $0x13C000, s8  }
0x7: {  	[smem:$0x7FF] =	sst s3;
	s4 =	sadd.s32 $0x10000, s6;
	s10 =	smul.u32 $0x13C00, s2  }
0x8: {  	s5 =	sadd.s32 $0xD800, s6;
	_ =	strace $0x80000047;
	s28 =	smul.u32 $0x4F000, s2  }
0x9: {  	s11 =	sshll.u32 s2, $0x1;
	s29 =	ssub.s32 $0x2, s8;
	s31 =	sshll.u32 s2, $0x6  }
0xa: {  	s8 =	sor.u32 s8, s11;
	s30 =	sshrl.u32 s29, $0x1;
	s9 =	sadd.s32 s10, s9  }
0xb: {  	s10 =	sshrl.u32 s28, $0x2;
	s8 =	smul.u32 $0x500, s8;
	s9 =	sshrl.u32 s9, $0x3  }
0xc: {  	s11 =	ssub.s32 s29, s30;
	s10 =	sadd.s32 s10, s1;
	s9 =	sadd.s32 s9, s6  }
0xd: {  	s6 =	sor.u32 $0x1C01, s31;
	s7 =	sadd.s32 s7, s8;
	s10 =	sshrl.u32 s10, $0x3  }
0xe: {  	s8 =	sadd.s32 $0x10800, s9;
	s9 =	smax.u32 s11, $0x1;
	s11 =	simm.s32 $0x1  }
.LBB2_1:
0xf: {  	[spmem:s10], [sflag:s6] =	dma.local [hbm:s5], $0x2780  }
0x10: {  	_ =	swait.ge [sflag:s11], $0x2780  }
0x11: {  	[sflag:s11] =	ssyncset.done $0x0  }
0x12: {  	[sflag:s11] =	ssyncadd.s32 $0xFFFFD880  }
0x13: {  	[tilespmem:s12], [sflag:$0x1] =	stream.linear.gather [hbm4b:s4+s3], $0x4000, $0x38;
	[tilespmem:$0x1A400] =	vst v63  }
0x14: {  	_ =	swait.ge [sflag:s11], $0x4000  }
0x15: {  	[sflag:s11] =	ssyncset.done $0x0  }
0x16: {  	[sflag:s11] =	ssyncadd.s32 $0xFFFFC000  }
0x17: {  	[tilespmem:s3], [sflag:$0x1] =	stream.linear.gather [hbm4b:s7+s3], $0x2800, $0x38;
	[tilespmem:$0x1A400] =	vst v63  }
0x18: {  	_ =	swait.ge [sflag:s11], $0x2800  }
0x19: {  	[sflag:s11] =	ssyncset.done $0x0  }
0x1a: {  	[sflag:s11] =	ssyncadd.s32 $0xFFFFD800  }
0x1b: {  	s15 =	simm.s32 $0x0;
	[bflag:$0x0] =	sbarrier.arrive $0xFFFF  }
0x1c: {  	[spmem:s1] =	stream.indirect.scatter.add.f32 [tilespmem:s12], [sflag:$0x1], $0x80, s15, s13, $0xb8;
	[tilespmem:$0x1A400] =	vst v63  }
0x1d: {  	_ =	swait.ge [sflag:s11], $0x4000  }
0x1e: {  	s15 =	simm.s32 $0x200;
	[sflag:s11] =	ssyncset.done $0x0  }
.LBB2_2:
0x1f: {  	s16 =	sshra.s32 s15, $0x2;
	[sflag:s11] =	ssyncadd.s32 $0xFFFFC000;
	p0 =	sne.s32 s15, $0x9E00  }
0x20: {  	[spmem:s1] =	stream.indirect.scatter.add.f32 [tilespmem:s12], [sflag:$0x1], $0x80, s16, s13, $0xb8;
	[tilespmem:$0x1A400] =	vst v63  }
.Ltmp0:
0x21: {  	_ = 	snop;
	(pc) =	sbr.rel @p0 .LBB2_2-.Ltmp0, $4  }
0x22: {  	_ = 	snop  }
0x23: {  	s15 =	sadd.s32 $0x200, s15  }
0x24: {  	_ =	swait.ge [sflag:s11], $0x4000  }
0x25: {  	[sflag:s11] =	ssyncset.done $0x0  }
0x26: {  	s14 =	sadd.s32 $0x1, s14  }
0x27: {  	[sflag:s11] =	ssyncadd.s32 $0xFFFFC000;
	p0 =	sne.s32 s14, s9  }
.Ltmp1:
0x28: {  	[bflag:$0x0] =	sbarrier.arrive $0xFFFF;
	(pc) =	sbr.rel @p0 .LBB2_1-.Ltmp1, $4  }
0x29: {  	[hbm:s8], [sflag:s6] =	dma.local [spmem:s10], $0x2780  }
0x2a: {  	_ =	swait.ge [sflag:s11], $0x2780  }
0x2b: {  	[sflag:s11] =	ssyncset.done $0x0  }
0x2c: {  	[sflag:s11] =	ssyncadd.s32 $0xFFFFD880  }
0x2d: {  	_ =	sfence.sel $0x180000  }
0x2e: {  	[bflag:$0x0] =	sbarrier.arrive $0xFFFF  }
0x2f: {  	p0 =	sne.s32 s2, $0x0;
	_ =	strace $0x90000047  }
0x30: {  	s0 =	sadd.s32 @!p0 $0x100000, s0;
	[bflag:$0x2] =	sbarrier.arrive $0xFFFF  }
0x31: {  	[sflag:s0] =	ssyncadd.tile.s32 @!p0 $0x1;
	_ =	shalt  }
.Lfunc_end2:
_tile_overlayer_lowered:
.L_overlay_start_2:
0x32: {  	(tag) =	ssettag $0x2  }
0x33: {  	s0 =	rddreg [dreg:$0x0];
	s2 =	stileid.u32  }
0x34: {  	s1 =	rddreg [dreg:$0x1];
	p0 =	sne.s32 s2, $0x0  }
0x35: {  	s3 =	rddreg [dreg:$0x2];
	[bflag:$0x3] =	sbarrier.arrive $0xFFFF;
	s2 =	simm.s32 @!p0 $0x1C01  }
0x36: {  	[timem:s3], [sflag:s2] =	dma.local @!p0 [hbm:s0], s1  }
0x37: {  	s0 =	simm.s32 @!p0 $0x1  }
0x38: {  	_ =	swait.ge @!p0 [sflag:s0], s1  }
0x39: {  	s1 =	ssub.s32 @!p0 $0x0, s1;
	[sflag:s0] =	ssyncset.done @!p0 $0x0  }
0x3a: {  	[sflag:s0] =	ssyncadd.s32 @!p0 s1  }
0x3b: {  	[bflag:$0x3] =	sbarrier.arrive $0xFFFF  }
0x3c: {  	_ =	shalt  }

// kernel: kernel.14.cloned.1.call-start
scs
__scs_entry_jumppad:
0x0: {  	(pc) =	sbr.rel $0x88, $3  }
0x1: {  	(tag) =	ssettag $0x0;
	lr =	simm.s32 $0x1  }
0x2: {  	[smem:$0x3F96] =	sst lr;
	_ =	strace $0xD0000000  }
0x3: {  	_ = 	snop  }
0x4: {  	_ = 	snop  }
0x5: {  	_ = 	snop  }
0x6: {  	_ = 	snop  }
0x7: {  	_ = 	snop  }
__scs_overlays_trampoline_lowered:
0x8: {  	[smem:$0x3FA5] =	sst s0  }
0x9: {  	[smem:$0x3FA6] =	sst s1  }
0xa: {  	[smem:$0x3FA7] =	sst s2  }
0xb: {  	[smem:$0x3FA8] =	sst s3  }
0xc: {  	[smem:$0x3FA9] =	sst s4  }
0xd: {  	[smem:$0x3FAA] =	sst s5  }
0xe: {  	[smem:$0x3FAB] =	sst s6  }
0xf: {  	[smem:$0x3FAC] =	sst s7  }
0x10: {  	[smem:$0x3FAD] =	sst s8  }
0x11: {  	[smem:$0x3FAE] =	sst s9;
	s0 =	simm.s32 @!p0 $0x0  }
0x12: {  	s1 =	sld [smem:$0x3F94];
	s0 =	simm.s32 @p0 $0x1  }
0x13: {  	[smem:$0x3FAF] =	sst s0;
	s0 =	simm.s32 @!p1 $0x0  }
0x14: {  	s2 =	sld [smem:$0x3F93];
	s0 =	simm.s32 @p1 $0x1  }
0x15: {  	[smem:$0x3FB0] =	sst s0;
	s0 =	simm.s32 @!p2 $0x0  }
0x16: {  	s3 =	sld [smem:$0x3FDB];
	s0 =	simm.s32 @p2 $0x1  }
0x17: {  	s4 =	simm.s32 $0x1BF5;
	[smem:$0x3FB2] =	sst s0  }
0x18: {  	s0 =	sld [smem:$0x3F95];
	_ =	swait.ge [sflag:s4], $0x0  }
0x19: {  	s7 =	sld [smem:$0x3F96]  }
0x1a: {  	s8 =	sadd.s32 $0xFFFFE003, lr  }
0x1b: {  	s9 =	sadd.s32 $0xFFFFFEF7, lr;
	s5 =	simm.s32 $0xFFFFFFFF;
	p2 =	slt.u32 s8, $0xFFFFF086  }
0x1c: {  	p1 =	slt.u32 s9, $0xF7A;
	s5 =	simm.s32 @!p2 $0x0  }
0x1d: {  	s5 =	simm.s32 @p1 $0x1;
	p0 =	seq.s32 s7, s2  }
0x1e: {  	s7 =	smul.u32 @!p0 $0xF7A, s2;
	p2 =	seq.s32 @!p0 s5, $0x0  }
0x1f: {  	s9 =	smul.u32 $0xF7A, s1;
	s8 =	simm.s32 @!p0 $0x1BF5;
	p2 =	por !p2, p0  }
0x20: {  	[sflag:s8] =	ssyncset.s32 @!p0 $0xFFFFF086;
	s6 =	sadd.s32 @!p0 s3, s7;
	s7 =	simm.s32 @!p0 $0x108  }
0x21: {  	s3 =	sadd.s32 s3, s9;
	s6 =	sadd.s32 @!p0 $0x88, s6;
	s7 =	simm.s32 @p2 $0x1082  }
0x22: {  	[simem:s7], [sflag:s8] =	dma.local @!p0 [hbm:s6], $0xF7A  }
0x23: {  	s9 =	sor.u32 $0xD0000000, s2;
	s6 =	simm.s32 $0x108;
	_ =	swait.ge @!p0 [sflag:s8], $0x0  }
0x24: {  	s3 =	sadd.s32 $0x88, s3;
	s6 =	simm.s32 @!p1 $0x1082;
	[sflag:s4] =	ssyncset.s32 $0xFFFFF086  }
0x25: {  	[simem:s6], [sflag:s4] =	dma.local [hbm:s3], $0xF7A  }
0x26: {  	[smem:$0x3F96] =	sst s1;
	(tag) =	ssettag s2;
	_ =	strace s9  }
0x27: {  	s1 =	sld [smem:$0x3FA6]  }
0x28: {  	s2 =	sld [smem:$0x3FA7]  }
0x29: {  	s4 =	sld [smem:$0x3FA9]  }
0x2a: {  	p0 =	seq.s32 s5, $0x0;
	s5 =	sld [smem:$0x3FAA]  }
0x2b: {  	s6 =	sld [smem:$0x3FAB]  }
0x2c: {  	s7 =	sld [smem:$0x3FAC]  }
0x2d: {  	s3 =	simm.s32 $0x108;
	s8 =	sld [smem:$0x3FAD]  }
0x2e: {  	s3 =	simm.s32 @!p0 $0x1082;
	s9 =	sld [smem:$0x3FAE]  }
0x2f: {  	lr =	sadd.s32 s0, s3;
	s0 =	sld [smem:$0x3FA5]  }
0x30: {  	s3 =	sld [smem:$0x3FA8]  }
0x31: {  	[smem:$0x3FB1] =	sst s10  }
0x32: {  	s10 =	sld [smem:$0x3FAF];
	_ =	sdelay $0x3  }
0x33: {  	p0 =	seq.s32 s10, $0x1;
	s10 =	sld [smem:$0x3FB1];
	_ =	sdelay $0x3  }
0x34: {  	[smem:$0x3FB1] =	sst s10  }
0x35: {  	s10 =	sld [smem:$0x3FB0];
	_ =	sdelay $0x3  }
0x36: {  	p1 =	seq.s32 s10, $0x1;
	s10 =	sld [smem:$0x3FB1];
	_ =	sdelay $0x3  }
0x37: {  	[smem:$0x3FB1] =	sst s10  }
0x38: {  	s10 =	sld [smem:$0x3FB2]  }
0x39: {  	_ = 	snop;
	(pc) =	sbr.ind lr, $3  }
0x3a: {  	_ = 	snop  }
0x3b: {  	_ = 	snop  }
0x3c: {  	p2 =	seq.s32 s10, $0x1;
	s10 =	sld [smem:$0x3FB1]  }
0x3d: {  	_ =	shalt  }
0x3e: {  	_ =	shalt  }
0x3f: {  	_ =	shalt  }
0x40: {  	_ =	shalt  }
0x41: {  	_ =	shalt  }
0x42: {  	_ =	shalt  }
0x43: {  	_ =	shalt  }
0x44: {  	_ =	shalt  }
0x45: {  	_ =	shalt  }
0x46: {  	_ =	shalt  }
0x47: {  	_ =	shalt  }
0x48: {  	_ =	shalt  }
0x49: {  	_ =	shalt  }
0x4a: {  	_ =	shalt  }
0x4b: {  	_ =	shalt  }
0x4c: {  	_ =	shalt  }
0x4d: {  	_ =	shalt  }
0x4e: {  	_ =	shalt  }
0x4f: {  	_ =	shalt  }
0x50: {  	_ =	shalt  }
0x51: {  	_ =	shalt  }
0x52: {  	_ =	shalt  }
0x53: {  	_ =	shalt  }
0x54: {  	_ =	shalt  }
0x55: {  	_ =	shalt  }
0x56: {  	_ =	shalt  }
0x57: {  	_ =	shalt  }
0x58: {  	_ =	shalt  }
0x59: {  	_ =	shalt  }
0x5a: {  	_ =	shalt  }
0x5b: {  	_ =	shalt  }
0x5c: {  	_ =	shalt  }
0x5d: {  	_ =	shalt  }
0x5e: {  	_ =	shalt  }
0x5f: {  	_ =	shalt  }
0x60: {  	_ =	shalt  }
0x61: {  	_ =	shalt  }
0x62: {  	_ =	shalt  }
0x63: {  	_ =	shalt  }
0x64: {  	_ =	shalt  }
0x65: {  	_ =	shalt  }
0x66: {  	_ =	shalt  }
0x67: {  	_ =	shalt  }
0x68: {  	_ =	shalt  }
0x69: {  	_ =	shalt  }
0x6a: {  	_ =	shalt  }
0x6b: {  	_ =	shalt  }
0x6c: {  	_ =	shalt  }
0x6d: {  	_ =	shalt  }
0x6e: {  	_ =	shalt  }
0x6f: {  	_ =	shalt  }
0x70: {  	_ =	shalt  }
0x71: {  	_ =	shalt  }
0x72: {  	_ =	shalt  }
0x73: {  	_ =	shalt  }
0x74: {  	_ =	shalt  }
0x75: {  	_ =	shalt  }
0x76: {  	_ =	shalt  }
0x77: {  	_ =	shalt  }
0x78: {  	_ =	shalt  }
0x79: {  	_ =	shalt  }
0x7a: {  	_ =	shalt  }
0x7b: {  	_ =	shalt  }
0x7c: {  	_ =	shalt  }
0x7d: {  	_ =	shalt  }
0x7e: {  	_ =	shalt  }
0x7f: {  	_ =	shalt  }
0x80: {  	_ =	shalt  }
0x81: {  	_ =	shalt  }
0x82: {  	_ =	shalt  }
0x83: {  	_ =	shalt  }
0x84: {  	_ =	shalt  }
0x85: {  	_ =	shalt  }
0x86: {  	_ =	shalt  }
0x87: {  	_ =	shalt  }
.Lfunc_end0:
.L_simem_size_0:
called_computation.1_lowered:
.L_overlay_start_0:
0x88: {  	s2 =	sld [smem:$0x3FD9]  }
0x89: {  	s3 =	sld [smem:$0x3FFE];
	_ =	sdelay $0x1  }
0x8a: {  	s1 =	srdreg.scid  }
0x8b: {  	s0 =	sand.u32 $0x1, s1  }
0x8c: {  	s17 =	sshll.u32 s0, $0xA;
	s2 =	sadd.s32 s3, s2  }
0x8d: {  	s2 =	sadd.s32 s2, s17  }
0x8e: {  	[smem:$0x3FBD] =	sst s2  }
0x8f: {  	_ = 	snop  }
0x90: {  	s18 =	sld [smem:$0x3FD0];
	(tm) =	ssettm $0x1  }
0x91: {  	s19 =	sld [smem:$0x3FFB];
	_ =	sdelay $0x3  }
0x92: {  	_ =	strace s19  }
0x93: {  	s2 =	sld [smem:$0x3FFC];
	_ =	sdelay $0x3  }
0x94: {  	_ =	strace s2  }
0x95: {  	s2 =	sld [smem:$0x3FFD];
	_ =	sdelay $0x3  }
0x96: {  	_ =	strace s2  }
0x97: {  	_ =	strace $0x8FFFFFFF  }
0x98: {  	s20 =	sld [smem:$0x3FDB];
	_ =	sdelay $0x1  }
0x99: {  	s4 =	simm.s32 $_scs_section_size  }
0x9a: {  	s5 =	simm.s32 $_size__tile_overlayer_lowered;
	s6 =	simm.s32 $_tile_overlayer_lowered  }
0x9b: {  	s7 =	simm.s32 $0x1BFF;
	s21 =	sshll.u32 s6, $0x1;
	s4 =	sadd.s32 s4, s20  }
0x9c: {  	s22 =	simm.s32 $0x0;
	s5 =	sshll.u32 s5, $0x1;
	s6 =	sadd.s32 s21, s4  }
0x9d: {  	[timem:s22], [sflag:s7] =	dma.local [hbm:s6], s5  }
0x9e: {  	_ =	swait.ge [sflag:s7], s5  }
0x9f: {  	s5 =	ssub.s32 $0x0, s5;
	[sflag:s7] =	ssyncset.done $0x0  }
0xa0: {  	[sflag:s7] =	ssyncadd.s32 s5;
	_ =	sdelay $0x1  }
0xa1: {  	s23 =	simm.s32 $0x1B8B  }
0xa2: {  	_ =	swait.ge [sflag:s23], $0x1  }
0xa3: {  	[sflag:s23] =	ssyncset.done $0x0  }
0xa4: {  	[sflag:s23] =	ssyncadd.s32 $0xFFFFFFFF  }
0xa5: {  	s5 =	sld [smem:$0x0]  }
0xa6: {  	s6 =	sand.u32 $0xFFFFFFFE, s1  }
0xa7: {  	p0 =	sne.s32 s1, s6  }
0xa8: {  	s6 =	sshll.u32 @p0 s6, $0xE  }
0xa9: {  	s6 =	sadd.s32 @p0 $0x11B8D, s6;
	s7 =	sshll.u32 @p0 s5, $0x11  }
0xaa: {  	s6 =	sor.u32 @p0 s7, s6  }
0xab: {  	[sflag:s6] =	ssyncadd.remote.s32 @p0 $0x1;
	_ =	sdelay $0x1  }
0xac: {  	s6 =	simm.s32 @p0 $0x1B8D  }
0xad: {  	_ =	swait.eq @p0 [sflag:s6], $0x1  }
0xae: {  	[sflag:s6] =	ssyncadd.s32 @p0 $0xFFFFFFFF  }
0xaf: {  	s7 =	sshll.u32 @!p0 s1, $0xE  }
0xb0: {  	s7 =	sor.u32 @!p0 $0x4000, s7;
	s6 =	simm.s32 @!p0 $0x1B8D  }
0xb1: {  	s5 =	sshll.u32 @!p0 s5, $0x11;
	s7 =	sadd.s32 @!p0 $0x11B8D, s7;
	_ =	swait.eq @!p0 [sflag:s6], $0x1  }
0xb2: {  	s5 =	sor.u32 @!p0 s5, s7;
	[sflag:s6] =	ssyncadd.s32 @!p0 $0xFFFFFFFF  }
0xb3: {  	s25 =	simm.s32 $0x1B8E;
	s24 =	sld [smem:$0x3FFE];
	[sflag:s5] =	ssyncadd.remote.s32 @!p0 $0x1  }
0xb4: {  	s26 =	simm.s32 $execute0_lowered;
	[smem:$0x3FD2] =	sst s25  }
0xb5: {  	s6 =	sshll.u32 s26, $0x1;
	_ =	strace $0x80000049;
	[dreg:$0x1] =	wrdreg $0xFFFFFFFF  }
0xb6: {  	s28 =	simm.s32 $_size_execute0_lowered;
	s4 =	sadd.s32 s4, s6;
	[dreg:$0x0] =	wrdreg $0x0  }
0xb7: {  	s6 =	sshll.u32 s28, $0x1;
	[dreg:$0x2] =	wrdreg s4  }
0xb8: {  	[dreg:$0x3] =	wrdreg s6  }
0xb9: {  	[dreg:$0x4] =	wrdreg $0xC0  }
0xba: {  	_ =	task [dreg:s22], $0x5FFFF  }
0xbb: {  	[dreg:$0x1] =	wrdreg $0xFFFFFFFF  }
0xbc: {  	[dreg:$0x0] =	wrdreg $0x60  }
0xbd: {  	[dreg:$0x2] =	wrdreg s24  }
0xbe: {  	[dreg:$0x3] =	wrdreg s18  }
0xbf: {  	[dreg:$0x4] =	wrdreg $0x90000  }
0xc0: {  	[dreg:$0x5] =	wrdreg $0xA  }
0xc1: {  	_ =	task.clear_ibuf [dreg:s22], $0x6FFFF;
	_ =	strace $0x90000049  }
0xc2: {  	s29 =	simm.s32 $0xA;
	_ =	strace $0x8000004B  }
0xc3: {  	_ =	swait.ge [sflag:s29], $0x1  }
0xc4: {  	[sflag:s29] =	ssyncadd.s32 $0xFFFFFFFF  }
0xc5: {  	_ =	strace $0x9000004B  }
0xc6: {  	_ =	sfence  }
0xc7: {  	s30 =	sld [smem:$0x0];
	_ =	sdelay $0x2  }
0xc8: {  	s31 =	sshll.u32 s1, $0xD;
	s1 =	sshrl.u32 s1, $0x2  }
0xc9: {  	s4 =	sand.u32 $0x4000, s31;
	s1 =	sadd.s32 s1, s30  }
0xca: {  	s0 =	sor.u32 s4, s0;
	s1 =	sshll.u32 s1, $0x11  }
0xcb: {  	s0 =	sor.u32 s1, s0  }
0xcc: {  	s0 =	sadd.s32 $0x8F2B, s0  }
0xcd: {  	[sflag:s0] =	ssyncadd.remote.s32 $0x1  }
0xce: {  	_ =	sfence.sel $0xFFFF  }
0xcf: {  	[dreg:$0x0] =	wrdreg $0xFFFFFFFF;
	(pc) =	sbr.abs _section_cstart, $3  }
0xd0: {  	[dreg:$0x1] =	wrdreg $0xFFFFFFFF  }
0xd1: {  	_ =	task.clear_ibuf [dreg:s22], $0x2FFFF;
	_ =	strace $0x9FFFFFFF  }
0xd2: {  	(tm) =	ssettm $0x7FFFFFFF  }
0xd3: {  	_ =	shalt  }
tec
execute0_lowered:
.L_overlay_start_1:
0x0: {  	(tag) =	ssettag $0x1  }
0x1: {  	s6 =	rddreg [dreg:$0x0]  }
0x2: {  	s0 =	srdreg.scid;
	s8 =	rddreg [dreg:$0x1]  }
0x3: {  	s2 =	rddreg [dreg:$0x2];
	s3 =	simm.s32 $0x0;
	s14 =	simm.s32 $0x80  }
0x4: {  	s15 =	simm.s32 $0x5000;
	s5 =	sand.u32 $0x1, s0;
	s0 =	stileid.u32  }
0x5: {  	s16 =	simm.s32 $0x0;
	[smem:$0x7FF] =	sst s3;
	s7 =	smul.u32 $0x13C000, s5  }
0x6: {  	s4 =	sadd.s32 $0x5F800, s6;
	s1 =	sshll.u32 s5, $0x4;
	s10 =	smul.u32 $0x13C00, s0  }
0x7: {  	s28 =	ssub.s32 $0x2, s5;
	s12 =	smul.u32 $0x4F000, s0;
	s5 =	sadd.s32 $0xD800, s6  }
0x8: {  	s31 =	sshll.u32 s0, $0x6;
	s1 =	sor.u32 s0, s1;
	s29 =	sshrl.u32 s28, $0x1  }
0x9: {  	s9 =	smul.u32 $0x500, s1;
	s1 =	rddreg [dreg:$0x3];
	_ =	strace $0x8000004A  }
0xa: {  	s7 =	sadd.s32 s10, s7;
	s10 =	ssub.s32 s28, s29;
	s30 =	sshrl.u32 s12, $0x2  }
0xb: {  	s7 =	sshrl.u32 s7, $0x3;
	s12 =	sadd.s32 s30, s2;
	s10 =	smax.u32 s10, $0x1  }
0xc: {  	s11 =	sadd.s32 s9, s6;
	s13 =	sadd.s32 s7, s6;
	s6 =	sor.u32 $0x1C01, s31  }
0xd: {  	s8 =	sadd.s32 s8, s9;
	s7 =	sadd.s32 $0x3800, s11;
	s9 =	sadd.s32 $0xAE800, s13  }
0xe: {  	s11 =	sshrl.u32 s12, $0x3;
	s12 =	simm.s32 $0x1;
	s13 =	simm.s32 $0x2800  }
.LBB2_1:
0xf: {  	[spmem:s11], [sflag:s6] =	dma.local [hbm:s5], $0x2780  }
0x10: {  	_ =	swait.ge [sflag:s12], $0x2780  }
0x11: {  	[sflag:s12] =	ssyncset.done $0x0  }
0x12: {  	[sflag:s12] =	ssyncadd.s32 $0xFFFFD880  }
0x13: {  	[tilespmem:s3], [sflag:$0x1] =	stream.linear.gather [hbm4b:s7+s3], $0x2800, $0x38;
	[tilespmem:$0x1CC00] =	vst v63  }
0x14: {  	_ =	swait.ge [sflag:s12], $0x2800  }
0x15: {  	[sflag:s12] =	ssyncset.done $0x0  }
0x16: {  	[sflag:s12] =	ssyncadd.s32 $0xFFFFD800  }
0x17: {  	[tilespmem:s13], [sflag:$0x1] =	stream.linear.gather [hbm4b:s8+s3], $0x2800, $0x38;
	[tilespmem:$0x1CC00] =	vst v63  }
0x18: {  	_ =	swait.ge [sflag:s12], $0x2800  }
0x19: {  	[sflag:s12] =	ssyncset.done $0x0  }
0x1a: {  	[sflag:s12] =	ssyncadd.s32 $0xFFFFD800  }
0x1b: {  	s17 =	simm.s32 $0x0;
	[bflag:$0x0] =	sbarrier.arrive $0xFFFF  }
0x1c: {  	[tilespmem:s15], [sflag:$0x1] =	stream.indirect.gather [hbm4b:s4+s14], $0x80, s17, s14, $0xb8;
	[tilespmem:$0x1CC00] =	vst v63  }
0x1d: {  	_ =	swait.ge [sflag:s12], $0x4000  }
0x1e: {  	[sflag:s12] =	ssyncset.done $0x0  }
0x1f: {  	s31 =	simm.s32 $0x2800;
	[sflag:s12] =	ssyncadd.s32 $0xFFFFC000  }
0x20: {  	[spmem:s2] =	stream.indirect.scatter.add.f32 [tilespmem:s15], [sflag:$0x1], $0x80, s31, s14, $0xb8;
	[tilespmem:$0x1CC00] =	vst v63  }
0x21: {  	_ =	swait.ge [sflag:s12], $0x4000  }
0x22: {  	s18 =	simm.s32 $0x400;
	s17 =	simm.s32 $0x200;
	[sflag:s12] =	ssyncset.done $0x0  }
.LBB2_2:
0x23: {  	s19 =	sshra.s32 s17, $0x2  }
0x24: {  	[sflag:s12] =	ssyncadd.s32 $0xFFFFC000;
	s17 =	smov.u32 s18;
	s20 =	sadd.s32 $0x200, s18  }
0x25: {  	[tilespmem:s15], [sflag:$0x1] =	stream.indirect.gather [hbm4b:s4+s14], $0x80, s19, s14, $0xb8;
	[tilespmem:$0x1CC00] =	vst v63  }
0x26: {  	p0 =	sne.s32 s18, $0x9E00;
	_ =	swait.ge [sflag:s12], $0x4000  }
.Ltmp0:
0x27: {  	[sflag:s12] =	ssyncset.done $0x0;
	(pc) =	sbr.rel @p0 .LBB2_2-.Ltmp0, $4  }
0x28: {  	s18 =	sadd.s32 $0x2800, s19;
	[sflag:s12] =	ssyncadd.s32 $0xFFFFC000  }
0x29: {  	[spmem:s2] =	stream.indirect.scatter.add.f32 [tilespmem:s15], [sflag:$0x1], $0x80, s18, s14, $0xb8;
	[tilespmem:$0x1CC00] =	vst v63  }
0x2a: {  	_ =	swait.ge [sflag:s12], $0x4000  }
0x2b: {  	s18 =	smov.u32 s20;
	[sflag:s12] =	ssyncset.done $0x0  }
0x2c: {  	s17 =	sshra.s32 s17, $0x2;
	[sflag:s12] =	ssyncadd.s32 $0xFFFFC000  }
0x2d: {  	[tilespmem:s15], [sflag:$0x1] =	stream.indirect.gather [hbm4b:s4+s14], $0x80, s17, s14, $0xb8;
	[tilespmem:$0x1CC00] =	vst v63  }
0x2e: {  	_ =	swait.ge [sflag:s12], $0x4000  }
0x2f: {  	[sflag:s12] =	ssyncset.done $0x0  }
0x30: {  	s17 =	sadd.s32 $0x2800, s17;
	[sflag:s12] =	ssyncadd.s32 $0xFFFFC000  }
0x31: {  	[spmem:s2] =	stream.indirect.scatter.add.f32 [tilespmem:s15], [sflag:$0x1], $0x80, s17, s14, $0xb8;
	[tilespmem:$0x1CC00] =	vst v63  }
0x32: {  	_ =	swait.ge [sflag:s12], $0x4000  }
0x33: {  	s16 =	sadd.s32 $0x1, s16;
	[sflag:s12] =	ssyncset.done $0x0  }
0x34: {  	p0 =	sne.s32 s16, s10;
	[sflag:s12] =	ssyncadd.s32 $0xFFFFC000  }
.Ltmp1:
0x35: {  	[bflag:$0x0] =	sbarrier.arrive $0xFFFF;
	(pc) =	sbr.rel @p0 .LBB2_1-.Ltmp1, $4  }
0x36: {  	[hbm:s9], [sflag:s6] =	dma.local [spmem:s11], $0x2780  }
0x37: {  	_ =	swait.ge [sflag:s12], $0x2780  }
0x38: {  	[sflag:s12] =	ssyncset.done $0x0  }
0x39: {  	[sflag:s12] =	ssyncadd.s32 $0xFFFFD880  }
0x3a: {  	_ =	sfence.sel $0x180000  }
0x3b: {  	[bflag:$0x0] =	sbarrier.arrive $0xFFFF  }
0x3c: {  	p0 =	sne.s32 s0, $0x0;
	_ =	strace $0x9000004A  }
0x3d: {  	s0 =	sadd.s32 @!p0 $0x100000, s1;
	[bflag:$0x2] =	sbarrier.arrive $0xFFFF  }
0x3e: {  	[sflag:s0] =	ssyncadd.tile.s32 @!p0 $0x1;
	_ =	shalt  }
.Lfunc_end2:
_tile_overlayer_lowered:
.L_overlay_start_2:
0x3f: {  	(tag) =	ssettag $0x2  }
0x40: {  	s0 =	rddreg [dreg:$0x0];
	s2 =	stileid.u32  }
0x41: {  	s1 =	rddreg [dreg:$0x1];
	p0 =	sne.s32 s2, $0x0  }
0x42: {  	s3 =	rddreg [dreg:$0x2];
	[bflag:$0x3] =	sbarrier.arrive $0xFFFF;
	s2 =	simm.s32 @!p0 $0x1C01  }
0x43: {  	[timem:s3], [sflag:s2] =	dma.local @!p0 [hbm:s0], s1  }
0x44: {  	s0 =	simm.s32 @!p0 $0x1  }
0x45: {  	_ =	swait.ge @!p0 [sflag:s0], s1  }
0x46: {  	s1 =	ssub.s32 @!p0 $0x0, s1;
	[sflag:s0] =	ssyncset.done @!p0 $0x0  }
0x47: {  	[sflag:s0] =	ssyncadd.s32 @!p0 s1  }
0x48: {  	[bflag:$0x3] =	sbarrier.arrive $0xFFFF  }
0x49: {  	_ =	shalt  }

// kernel: kernel.17.cloned.1.call-start
scs
__scs_entry_jumppad:
0x0: {  	(pc) =	sbr.rel $0x88, $3  }
0x1: {  	(tag) =	ssettag $0x0;
	lr =	simm.s32 $0x1  }
0x2: {  	[smem:$0x3F96] =	sst lr;
	_ =	strace $0xD0000000  }
0x3: {  	_ = 	snop  }
0x4: {  	_ = 	snop  }
0x5: {  	_ = 	snop  }
0x6: {  	_ = 	snop  }
0x7: {  	_ = 	snop  }
__scs_overlays_trampoline_lowered:
0x8: {  	[smem:$0x3FA5] =	sst s0  }
0x9: {  	[smem:$0x3FA6] =	sst s1  }
0xa: {  	[smem:$0x3FA7] =	sst s2  }
0xb: {  	[smem:$0x3FA8] =	sst s3  }
0xc: {  	[smem:$0x3FA9] =	sst s4  }
0xd: {  	[smem:$0x3FAA] =	sst s5  }
0xe: {  	[smem:$0x3FAB] =	sst s6  }
0xf: {  	[smem:$0x3FAC] =	sst s7  }
0x10: {  	[smem:$0x3FAD] =	sst s8  }
0x11: {  	[smem:$0x3FAE] =	sst s9;
	s0 =	simm.s32 @!p0 $0x0  }
0x12: {  	s1 =	sld [smem:$0x3F94];
	s0 =	simm.s32 @p0 $0x1  }
0x13: {  	[smem:$0x3FAF] =	sst s0;
	s0 =	simm.s32 @!p1 $0x0  }
0x14: {  	s2 =	sld [smem:$0x3F93];
	s0 =	simm.s32 @p1 $0x1  }
0x15: {  	[smem:$0x3FB0] =	sst s0;
	s0 =	simm.s32 @!p2 $0x0  }
0x16: {  	s3 =	sld [smem:$0x3FDB];
	s0 =	simm.s32 @p2 $0x1  }
0x17: {  	s4 =	simm.s32 $0x1BF5;
	[smem:$0x3FB2] =	sst s0  }
0x18: {  	s0 =	sld [smem:$0x3F95];
	_ =	swait.ge [sflag:s4], $0x0  }
0x19: {  	s7 =	sld [smem:$0x3F96]  }
0x1a: {  	s8 =	sadd.s32 $0xFFFFE003, lr  }
0x1b: {  	s9 =	sadd.s32 $0xFFFFFEF7, lr;
	s5 =	simm.s32 $0xFFFFFFFF;
	p2 =	slt.u32 s8, $0xFFFFF086  }
0x1c: {  	p1 =	slt.u32 s9, $0xF7A;
	s5 =	simm.s32 @!p2 $0x0  }
0x1d: {  	s5 =	simm.s32 @p1 $0x1;
	p0 =	seq.s32 s7, s2  }
0x1e: {  	s7 =	smul.u32 @!p0 $0xF7A, s2;
	p2 =	seq.s32 @!p0 s5, $0x0  }
0x1f: {  	s9 =	smul.u32 $0xF7A, s1;
	s8 =	simm.s32 @!p0 $0x1BF5;
	p2 =	por !p2, p0  }
0x20: {  	[sflag:s8] =	ssyncset.s32 @!p0 $0xFFFFF086;
	s6 =	sadd.s32 @!p0 s3, s7;
	s7 =	simm.s32 @!p0 $0x108  }
0x21: {  	s3 =	sadd.s32 s3, s9;
	s6 =	sadd.s32 @!p0 $0x88, s6;
	s7 =	simm.s32 @p2 $0x1082  }
0x22: {  	[simem:s7], [sflag:s8] =	dma.local @!p0 [hbm:s6], $0xF7A  }
0x23: {  	s9 =	sor.u32 $0xD0000000, s2;
	s6 =	simm.s32 $0x108;
	_ =	swait.ge @!p0 [sflag:s8], $0x0  }
0x24: {  	s3 =	sadd.s32 $0x88, s3;
	s6 =	simm.s32 @!p1 $0x1082;
	[sflag:s4] =	ssyncset.s32 $0xFFFFF086  }
0x25: {  	[simem:s6], [sflag:s4] =	dma.local [hbm:s3], $0xF7A  }
0x26: {  	[smem:$0x3F96] =	sst s1;
	(tag) =	ssettag s2;
	_ =	strace s9  }
0x27: {  	s1 =	sld [smem:$0x3FA6]  }
0x28: {  	s2 =	sld [smem:$0x3FA7]  }
0x29: {  	s4 =	sld [smem:$0x3FA9]  }
0x2a: {  	p0 =	seq.s32 s5, $0x0;
	s5 =	sld [smem:$0x3FAA]  }
0x2b: {  	s6 =	sld [smem:$0x3FAB]  }
0x2c: {  	s7 =	sld [smem:$0x3FAC]  }
0x2d: {  	s3 =	simm.s32 $0x108;
	s8 =	sld [smem:$0x3FAD]  }
0x2e: {  	s3 =	simm.s32 @!p0 $0x1082;
	s9 =	sld [smem:$0x3FAE]  }
0x2f: {  	lr =	sadd.s32 s0, s3;
	s0 =	sld [smem:$0x3FA5]  }
0x30: {  	s3 =	sld [smem:$0x3FA8]  }
0x31: {  	[smem:$0x3FB1] =	sst s10  }
0x32: {  	s10 =	sld [smem:$0x3FAF];
	_ =	sdelay $0x3  }
0x33: {  	p0 =	seq.s32 s10, $0x1;
	s10 =	sld [smem:$0x3FB1];
	_ =	sdelay $0x3  }
0x34: {  	[smem:$0x3FB1] =	sst s10  }
0x35: {  	s10 =	sld [smem:$0x3FB0];
	_ =	sdelay $0x3  }
0x36: {  	p1 =	seq.s32 s10, $0x1;
	s10 =	sld [smem:$0x3FB1];
	_ =	sdelay $0x3  }
0x37: {  	[smem:$0x3FB1] =	sst s10  }
0x38: {  	s10 =	sld [smem:$0x3FB2]  }
0x39: {  	_ = 	snop;
	(pc) =	sbr.ind lr, $3  }
0x3a: {  	_ = 	snop  }
0x3b: {  	_ = 	snop  }
0x3c: {  	p2 =	seq.s32 s10, $0x1;
	s10 =	sld [smem:$0x3FB1]  }
0x3d: {  	_ =	shalt  }
0x3e: {  	_ =	shalt  }
0x3f: {  	_ =	shalt  }
0x40: {  	_ =	shalt  }
0x41: {  	_ =	shalt  }
0x42: {  	_ =	shalt  }
0x43: {  	_ =	shalt  }
0x44: {  	_ =	shalt  }
0x45: {  	_ =	shalt  }
0x46: {  	_ =	shalt  }
0x47: {  	_ =	shalt  }
0x48: {  	_ =	shalt  }
0x49: {  	_ =	shalt  }
0x4a: {  	_ =	shalt  }
0x4b: {  	_ =	shalt  }
0x4c: {  	_ =	shalt  }
0x4d: {  	_ =	shalt  }
0x4e: {  	_ =	shalt  }
0x4f: {  	_ =	shalt  }
0x50: {  	_ =	shalt  }
0x51: {  	_ =	shalt  }
0x52: {  	_ =	shalt  }
0x53: {  	_ =	shalt  }
0x54: {  	_ =	shalt  }
0x55: {  	_ =	shalt  }
0x56: {  	_ =	shalt  }
0x57: {  	_ =	shalt  }
0x58: {  	_ =	shalt  }
0x59: {  	_ =	shalt  }
0x5a: {  	_ =	shalt  }
0x5b: {  	_ =	shalt  }
0x5c: {  	_ =	shalt  }
0x5d: {  	_ =	shalt  }
0x5e: {  	_ =	shalt  }
0x5f: {  	_ =	shalt  }
0x60: {  	_ =	shalt  }
0x61: {  	_ =	shalt  }
0x62: {  	_ =	shalt  }
0x63: {  	_ =	shalt  }
0x64: {  	_ =	shalt  }
0x65: {  	_ =	shalt  }
0x66: {  	_ =	shalt  }
0x67: {  	_ =	shalt  }
0x68: {  	_ =	shalt  }
0x69: {  	_ =	shalt  }
0x6a: {  	_ =	shalt  }
0x6b: {  	_ =	shalt  }
0x6c: {  	_ =	shalt  }
0x6d: {  	_ =	shalt  }
0x6e: {  	_ =	shalt  }
0x6f: {  	_ =	shalt  }
0x70: {  	_ =	shalt  }
0x71: {  	_ =	shalt  }
0x72: {  	_ =	shalt  }
0x73: {  	_ =	shalt  }
0x74: {  	_ =	shalt  }
0x75: {  	_ =	shalt  }
0x76: {  	_ =	shalt  }
0x77: {  	_ =	shalt  }
0x78: {  	_ =	shalt  }
0x79: {  	_ =	shalt  }
0x7a: {  	_ =	shalt  }
0x7b: {  	_ =	shalt  }
0x7c: {  	_ =	shalt  }
0x7d: {  	_ =	shalt  }
0x7e: {  	_ =	shalt  }
0x7f: {  	_ =	shalt  }
0x80: {  	_ =	shalt  }
0x81: {  	_ =	shalt  }
0x82: {  	_ =	shalt  }
0x83: {  	_ =	shalt  }
0x84: {  	_ =	shalt  }
0x85: {  	_ =	shalt  }
0x86: {  	_ =	shalt  }
0x87: {  	_ =	shalt  }
.Lfunc_end0:
.L_simem_size_0:
called_computation.2_lowered:
.L_overlay_start_0:
0x88: {  	s2 =	sld [smem:$0x3FD9]  }
0x89: {  	s3 =	sld [smem:$0x3FFE];
	_ =	sdelay $0x1  }
0x8a: {  	s1 =	srdreg.scid  }
0x8b: {  	s0 =	sand.u32 $0x1, s1  }
0x8c: {  	s17 =	sshll.u32 s0, $0xA;
	s2 =	sadd.s32 s3, s2  }
0x8d: {  	s2 =	sadd.s32 s2, s17  }
0x8e: {  	[smem:$0x3FBD] =	sst s2  }
0x8f: {  	_ = 	snop  }
0x90: {  	s2 =	sld [smem:$0x3FD0];
	(tm) =	ssettm $0x1  }
0x91: {  	s18 =	sld [smem:$0x3FFB];
	_ =	sdelay $0x3  }
0x92: {  	_ =	strace s18  }
0x93: {  	s3 =	sld [smem:$0x3FFC];
	_ =	sdelay $0x3  }
0x94: {  	_ =	strace s3  }
0x95: {  	s3 =	sld [smem:$0x3FFD];
	_ =	sdelay $0x3  }
0x96: {  	_ =	strace s3  }
0x97: {  	_ =	strace $0x8FFFFFFF  }
0x98: {  	s19 =	sld [smem:$0x3FDB];
	_ =	sdelay $0x1  }
0x99: {  	s4 =	simm.s32 $_scs_section_size  }
0x9a: {  	s5 =	simm.s32 $_size__tile_overlayer_lowered;
	s6 =	simm.s32 $_tile_overlayer_lowered  }
0x9b: {  	s22 =	simm.s32 $0x1BFF;
	s21 =	sshll.u32 s6, $0x1;
	s3 =	sadd.s32 s4, s19  }
0x9c: {  	s7 =	simm.s32 $0x0;
	s20 =	sshll.u32 s5, $0x1;
	s5 =	sadd.s32 s21, s3  }
0x9d: {  	[timem:s7], [sflag:s22] =	dma.local [hbm:s5], s20  }
0x9e: {  	_ =	swait.ge [sflag:s22], s20  }
0x9f: {  	s4 =	ssub.s32 $0x0, s20;
	[sflag:s22] =	ssyncset.done $0x0  }
0xa0: {  	[sflag:s22] =	ssyncadd.s32 s4;
	_ =	sdelay $0x1  }
0xa1: {  	s23 =	simm.s32 $0x1B8B  }
0xa2: {  	_ =	swait.ge [sflag:s23], $0x1  }
0xa3: {  	[sflag:s23] =	ssyncset.done $0x0  }
0xa4: {  	s25 =	simm.s32 $0x1B8E;
	s24 =	sld [smem:$0x3FFE];
	[sflag:s23] =	ssyncadd.s32 $0xFFFFFFFF  }
0xa5: {  	s26 =	simm.s32 $execute0_lowered;
	[smem:$0x3FD2] =	sst s25  }
0xa6: {  	s5 =	sshll.u32 s26, $0x1;
	_ =	strace $0x8000004C;
	[dreg:$0x1] =	wrdreg $0xFFFFFFFF  }
0xa7: {  	s28 =	simm.s32 $_size_execute0_lowered;
	s3 =	sadd.s32 s3, s5;
	[dreg:$0x0] =	wrdreg $0x0  }
0xa8: {  	s5 =	sshll.u32 s28, $0x1;
	[dreg:$0x2] =	wrdreg s3  }
0xa9: {  	[dreg:$0x3] =	wrdreg s5  }
0xaa: {  	[dreg:$0x4] =	wrdreg $0xC0  }
0xab: {  	_ =	task [dreg:s7], $0x5FFFF  }
0xac: {  	[dreg:$0x1] =	wrdreg $0xFFFFFFFF  }
0xad: {  	[dreg:$0x0] =	wrdreg $0x60  }
0xae: {  	[dreg:$0x2] =	wrdreg s24  }
0xaf: {  	[dreg:$0x3] =	wrdreg s2  }
0xb0: {  	[dreg:$0x4] =	wrdreg $0x90000  }
0xb1: {  	[dreg:$0x5] =	wrdreg $0x9  }
0xb2: {  	_ =	task.clear_ibuf [dreg:s7], $0x6FFFF;
	_ =	strace $0x9000004C  }
0xb3: {  	s29 =	simm.s32 $0x9;
	_ =	strace $0x8000004E  }
0xb4: {  	_ =	swait.ge [sflag:s29], $0x1  }
0xb5: {  	[sflag:s29] =	ssyncadd.s32 $0xFFFFFFFF  }
0xb6: {  	_ =	strace $0x9000004E  }
0xb7: {  	_ =	sfence  }
0xb8: {  	s30 =	sld [smem:$0x0];
	_ =	sdelay $0x2  }
0xb9: {  	s31 =	sshll.u32 s1, $0xD;
	s1 =	sshrl.u32 s1, $0x2  }
0xba: {  	s3 =	sand.u32 $0x4000, s31;
	s1 =	sadd.s32 s1, s30  }
0xbb: {  	s0 =	sor.u32 s3, s0;
	s1 =	sshll.u32 s1, $0x11  }
0xbc: {  	s0 =	sor.u32 s1, s0  }
0xbd: {  	s0 =	sadd.s32 $0x8F2B, s0  }
0xbe: {  	[sflag:s0] =	ssyncadd.remote.s32 $0x1  }
0xbf: {  	_ =	sfence.sel $0xFFFF  }
0xc0: {  	[dreg:$0x0] =	wrdreg $0xFFFFFFFF;
	(pc) =	sbr.abs _section_cstart, $3  }
0xc1: {  	[dreg:$0x1] =	wrdreg $0xFFFFFFFF  }
0xc2: {  	_ =	task.clear_ibuf [dreg:s7], $0x2FFFF;
	_ =	strace $0x9FFFFFFF  }
0xc3: {  	(tm) =	ssettm $0x7FFFFFFF  }
tec
execute0_lowered:
.L_overlay_start_1:
0x0: {  	(tag) =	ssettag $0x1  }
0x1: {  	s6 =	rddreg [dreg:$0x0]  }
0x2: {  	s0 =	srdreg.scid;
	s8 =	rddreg [dreg:$0x1]  }
0x3: {  	s2 =	rddreg [dreg:$0x2];
	s3 =	simm.s32 $0x0;
	s14 =	simm.s32 $0x80  }
0x4: {  	s15 =	simm.s32 $0x5000;
	s5 =	sand.u32 $0x1, s0;
	s0 =	stileid.u32  }
0x5: {  	s16 =	simm.s32 $0x0;
	[smem:$0x7FF] =	sst s3;
	s7 =	smul.u32 $0x13C000, s5  }
0x6: {  	s4 =	sadd.s32 $0x37800, s6;
	s1 =	sshll.u32 s5, $0x4;
	s10 =	smul.u32 $0x13C00, s0  }
0x7: {  	s28 =	ssub.s32 $0x2, s5;
	s12 =	smul.u32 $0x4F000, s0;
	s5 =	sadd.s32 $0xD800, s6  }
0x8: {  	s31 =	sshll.u32 s0, $0x6;
	s1 =	sor.u32 s0, s1;
	s29 =	sshrl.u32 s28, $0x1  }
0x9: {  	s9 =	smul.u32 $0x500, s1;
	s1 =	rddreg [dreg:$0x3];
	_ =	strace $0x8000004D  }
0xa: {  	s7 =	sadd.s32 s10, s7;
	s10 =	ssub.s32 s28, s29;
	s30 =	sshrl.u32 s12, $0x2  }
0xb: {  	s7 =	sshrl.u32 s7, $0x3;
	s12 =	sadd.s32 s30, s2;
	s10 =	smax.u32 s10, $0x1  }
0xc: {  	s11 =	sadd.s32 s9, s6;
	s13 =	sadd.s32 s7, s6;
	s6 =	sor.u32 $0x1C01, s31  }
0xd: {  	s8 =	sadd.s32 s8, s9;
	s7 =	sadd.s32 $0x3800, s11;
	s9 =	sadd.s32 $0x86800, s13  }
0xe: {  	s11 =	sshrl.u32 s12, $0x3;
	s12 =	simm.s32 $0x1;
	s13 =	simm.s32 $0x2800  }
.LBB2_1:
0xf: {  	[spmem:s11], [sflag:s6] =	dma.local [hbm:s5], $0x2780  }
0x10: {  	_ =	swait.ge [sflag:s12], $0x2780  }
0x11: {  	[sflag:s12] =	ssyncset.done $0x0  }
0x12: {  	[sflag:s12] =	ssyncadd.s32 $0xFFFFD880  }
0x13: {  	[tilespmem:s3], [sflag:$0x1] =	stream.linear.gather [hbm4b:s7+s3], $0x2800, $0x38;
	[tilespmem:$0x1CC00] =	vst v63  }
0x14: {  	_ =	swait.ge [sflag:s12], $0x2800  }
0x15: {  	[sflag:s12] =	ssyncset.done $0x0  }
0x16: {  	[sflag:s12] =	ssyncadd.s32 $0xFFFFD800  }
0x17: {  	[tilespmem:s13], [sflag:$0x1] =	stream.linear.gather [hbm4b:s8+s3], $0x2800, $0x38;
	[tilespmem:$0x1CC00] =	vst v63  }
0x18: {  	_ =	swait.ge [sflag:s12], $0x2800  }
0x19: {  	[sflag:s12] =	ssyncset.done $0x0  }
0x1a: {  	[sflag:s12] =	ssyncadd.s32 $0xFFFFD800  }
0x1b: {  	s17 =	simm.s32 $0x0;
	[bflag:$0x0] =	sbarrier.arrive $0xFFFF  }
0x1c: {  	[tilespmem:s15], [sflag:$0x1] =	stream.indirect.gather [hbm4b:s4+s14], $0x80, s17, s14, $0xb8;
	[tilespmem:$0x1CC00] =	vst v63  }
0x1d: {  	_ =	swait.ge [sflag:s12], $0x4000  }
0x1e: {  	[sflag:s12] =	ssyncset.done $0x0  }
0x1f: {  	s31 =	simm.s32 $0x2800;
	[sflag:s12] =	ssyncadd.s32 $0xFFFFC000  }
0x20: {  	[spmem:s2] =	stream.indirect.scatter.add.f32 [tilespmem:s15], [sflag:$0x1], $0x80, s31, s14, $0xb8;
	[tilespmem:$0x1CC00] =	vst v63  }
0x21: {  	_ =	swait.ge [sflag:s12], $0x4000  }
0x22: {  	s18 =	simm.s32 $0x400;
	s17 =	simm.s32 $0x200;
	[sflag:s12] =	ssyncset.done $0x0  }
.LBB2_2:
0x23: {  	s19 =	sshra.s32 s17, $0x2  }
0x24: {  	[sflag:s12] =	ssyncadd.s32 $0xFFFFC000;
	s17 =	smov.u32 s18;
	s20 =	sadd.s32 $0x200, s18  }
0x25: {  	[tilespmem:s15], [sflag:$0x1] =	stream.indirect.gather [hbm4b:s4+s14], $0x80, s19, s14, $0xb8;
	[tilespmem:$0x1CC00] =	vst v63  }
0x26: {  	p0 =	sne.s32 s18, $0x9E00;
	_ =	swait.ge [sflag:s12], $0x4000  }
.Ltmp0:
0x27: {  	[sflag:s12] =	ssyncset.done $0x0;
	(pc) =	sbr.rel @p0 .LBB2_2-.Ltmp0, $4  }
0x28: {  	s18 =	sadd.s32 $0x2800, s19;
	[sflag:s12] =	ssyncadd.s32 $0xFFFFC000  }
0x29: {  	[spmem:s2] =	stream.indirect.scatter.add.f32 [tilespmem:s15], [sflag:$0x1], $0x80, s18, s14, $0xb8;
	[tilespmem:$0x1CC00] =	vst v63  }
0x2a: {  	_ =	swait.ge [sflag:s12], $0x4000  }
0x2b: {  	s18 =	smov.u32 s20;
	[sflag:s12] =	ssyncset.done $0x0  }
0x2c: {  	s17 =	sshra.s32 s17, $0x2;
	[sflag:s12] =	ssyncadd.s32 $0xFFFFC000  }
0x2d: {  	[tilespmem:s15], [sflag:$0x1] =	stream.indirect.gather [hbm4b:s4+s14], $0x80, s17, s14, $0xb8;
	[tilespmem:$0x1CC00] =	vst v63  }
0x2e: {  	_ =	swait.ge [sflag:s12], $0x4000  }
0x2f: {  	[sflag:s12] =	ssyncset.done $0x0  }
0x30: {  	s17 =	sadd.s32 $0x2800, s17;
	[sflag:s12] =	ssyncadd.s32 $0xFFFFC000  }
0x31: {  	[spmem:s2] =	stream.indirect.scatter.add.f32 [tilespmem:s15], [sflag:$0x1], $0x80, s17, s14, $0xb8;
	[tilespmem:$0x1CC00] =	vst v63  }
0x32: {  	_ =	swait.ge [sflag:s12], $0x4000  }
0x33: {  	s16 =	sadd.s32 $0x1, s16;
	[sflag:s12] =	ssyncset.done $0x0  }
0x34: {  	p0 =	sne.s32 s16, s10;
	[sflag:s12] =	ssyncadd.s32 $0xFFFFC000  }
.Ltmp1:
0x35: {  	[bflag:$0x0] =	sbarrier.arrive $0xFFFF;
	(pc) =	sbr.rel @p0 .LBB2_1-.Ltmp1, $4  }
0x36: {  	[hbm:s9], [sflag:s6] =	dma.local [spmem:s11], $0x2780  }
0x37: {  	_ =	swait.ge [sflag:s12], $0x2780  }
0x38: {  	[sflag:s12] =	ssyncset.done $0x0  }
0x39: {  	[sflag:s12] =	ssyncadd.s32 $0xFFFFD880  }
0x3a: {  	_ =	sfence.sel $0x180000  }
0x3b: {  	[bflag:$0x0] =	sbarrier.arrive $0xFFFF  }
0x3c: {  	p0 =	sne.s32 s0, $0x0;
	_ =	strace $0x9000004D  }
0x3d: {  	s0 =	sadd.s32 @!p0 $0x100000, s1;
	[bflag:$0x2] =	sbarrier.arrive $0xFFFF  }
0x3e: {  	[sflag:s0] =	ssyncadd.tile.s32 @!p0 $0x1;
	_ =	shalt  }
.Lfunc_end2:
_tile_overlayer_lowered:
.L_overlay_start_2:
0x3f: {  	(tag) =	ssettag $0x2  }
0x40: {  	s0 =	rddreg [dreg:$0x0];
	s2 =	stileid.u32  }
0x41: {  	s1 =	rddreg [dreg:$0x1];
	p0 =	sne.s32 s2, $0x0  }
0x42: {  	s3 =	rddreg [dreg:$0x2];
	[bflag:$0x3] =	sbarrier.arrive $0xFFFF;
	s2 =	simm.s32 @!p0 $0x1C01  }
0x43: {  	[timem:s3], [sflag:s2] =	dma.local @!p0 [hbm:s0], s1  }
0x44: {  	s0 =	simm.s32 @!p0 $0x1  }
0x45: {  	_ =	swait.ge @!p0 [sflag:s0], s1  }
0x46: {  	s1 =	ssub.s32 @!p0 $0x0, s1;
	[sflag:s0] =	ssyncset.done @!p0 $0x0  }
0x47: {  	[sflag:s0] =	ssyncadd.s32 @!p0 s1  }
0x48: {  	[bflag:$0x3] =	sbarrier.arrive $0xFFFF  }
0x49: {  	_ =	shalt  }

// kernel: kernel.20.cloned.1.call-start
scs
__scs_entry_jumppad:
0x0: {  	(pc) =	sbr.rel $0x88, $3  }
0x1: {  	(tag) =	ssettag $0x0;
	lr =	simm.s32 $0x1  }
0x2: {  	[smem:$0x3F96] =	sst lr;
	_ =	strace $0xD0000000  }
0x3: {  	_ = 	snop  }
0x4: {  	_ = 	snop  }
0x5: {  	_ = 	snop  }
0x6: {  	_ = 	snop  }
0x7: {  	_ = 	snop  }
__scs_overlays_trampoline_lowered:
0x8: {  	[smem:$0x3FA5] =	sst s0  }
0x9: {  	[smem:$0x3FA6] =	sst s1  }
0xa: {  	[smem:$0x3FA7] =	sst s2  }
0xb: {  	[smem:$0x3FA8] =	sst s3  }
0xc: {  	[smem:$0x3FA9] =	sst s4  }
0xd: {  	[smem:$0x3FAA] =	sst s5  }
0xe: {  	[smem:$0x3FAB] =	sst s6  }
0xf: {  	[smem:$0x3FAC] =	sst s7  }
0x10: {  	[smem:$0x3FAD] =	sst s8  }
0x11: {  	[smem:$0x3FAE] =	sst s9;
	s0 =	simm.s32 @!p0 $0x0  }
0x12: {  	s1 =	sld [smem:$0x3F94];
	s0 =	simm.s32 @p0 $0x1  }
0x13: {  	[smem:$0x3FAF] =	sst s0;
	s0 =	simm.s32 @!p1 $0x0  }
0x14: {  	s2 =	sld [smem:$0x3F93];
	s0 =	simm.s32 @p1 $0x1  }
0x15: {  	[smem:$0x3FB0] =	sst s0;
	s0 =	simm.s32 @!p2 $0x0  }
0x16: {  	s3 =	sld [smem:$0x3FDB];
	s0 =	simm.s32 @p2 $0x1  }
0x17: {  	s4 =	simm.s32 $0x1BF5;
	[smem:$0x3FB2] =	sst s0  }
0x18: {  	s0 =	sld [smem:$0x3F95];
	_ =	swait.ge [sflag:s4], $0x0  }
0x19: {  	s7 =	sld [smem:$0x3F96]  }
0x1a: {  	s8 =	sadd.s32 $0xFFFFE003, lr  }
0x1b: {  	s9 =	sadd.s32 $0xFFFFFEF7, lr;
	s5 =	simm.s32 $0xFFFFFFFF;
	p2 =	slt.u32 s8, $0xFFFFF086  }
0x1c: {  	p1 =	slt.u32 s9, $0xF7A;
	s5 =	simm.s32 @!p2 $0x0  }
0x1d: {  	s5 =	simm.s32 @p1 $0x1;
	p0 =	seq.s32 s7, s2  }
0x1e: {  	s7 =	smul.u32 @!p0 $0xF7A, s2;
	p2 =	seq.s32 @!p0 s5, $0x0  }
0x1f: {  	s9 =	smul.u32 $0xF7A, s1;
	s8 =	simm.s32 @!p0 $0x1BF5;
	p2 =	por !p2, p0  }
0x20: {  	[sflag:s8] =	ssyncset.s32 @!p0 $0xFFFFF086;
	s6 =	sadd.s32 @!p0 s3, s7;
	s7 =	simm.s32 @!p0 $0x108  }
0x21: {  	s3 =	sadd.s32 s3, s9;
	s6 =	sadd.s32 @!p0 $0x88, s6;
	s7 =	simm.s32 @p2 $0x1082  }
0x22: {  	[simem:s7], [sflag:s8] =	dma.local @!p0 [hbm:s6], $0xF7A  }
0x23: {  	s9 =	sor.u32 $0xD0000000, s2;
	s6 =	simm.s32 $0x108;
	_ =	swait.ge @!p0 [sflag:s8], $0x0  }
0x24: {  	s3 =	sadd.s32 $0x88, s3;
	s6 =	simm.s32 @!p1 $0x1082;
	[sflag:s4] =	ssyncset.s32 $0xFFFFF086  }
0x25: {  	[simem:s6], [sflag:s4] =	dma.local [hbm:s3], $0xF7A  }
0x26: {  	[smem:$0x3F96] =	sst s1;
	(tag) =	ssettag s2;
	_ =	strace s9  }
0x27: {  	s1 =	sld [smem:$0x3FA6]  }
0x28: {  	s2 =	sld [smem:$0x3FA7]  }
0x29: {  	s4 =	sld [smem:$0x3FA9]  }
0x2a: {  	p0 =	seq.s32 s5, $0x0;
	s5 =	sld [smem:$0x3FAA]  }
0x2b: {  	s6 =	sld [smem:$0x3FAB]  }
0x2c: {  	s7 =	sld [smem:$0x3FAC]  }
0x2d: {  	s3 =	simm.s32 $0x108;
	s8 =	sld [smem:$0x3FAD]  }
0x2e: {  	s3 =	simm.s32 @!p0 $0x1082;
	s9 =	sld [smem:$0x3FAE]  }
0x2f: {  	lr =	sadd.s32 s0, s3;
	s0 =	sld [smem:$0x3FA5]  }
0x30: {  	s3 =	sld [smem:$0x3FA8]  }
0x31: {  	[smem:$0x3FB1] =	sst s10  }
0x32: {  	s10 =	sld [smem:$0x3FAF];
	_ =	sdelay $0x3  }
0x33: {  	p0 =	seq.s32 s10, $0x1;
	s10 =	sld [smem:$0x3FB1];
	_ =	sdelay $0x3  }
0x34: {  	[smem:$0x3FB1] =	sst s10  }
0x35: {  	s10 =	sld [smem:$0x3FB0];
	_ =	sdelay $0x3  }
0x36: {  	p1 =	seq.s32 s10, $0x1;
	s10 =	sld [smem:$0x3FB1];
	_ =	sdelay $0x3  }
0x37: {  	[smem:$0x3FB1] =	sst s10  }
0x38: {  	s10 =	sld [smem:$0x3FB2]  }
0x39: {  	_ = 	snop;
	(pc) =	sbr.ind lr, $3  }
0x3a: {  	_ = 	snop  }
0x3b: {  	_ = 	snop  }
0x3c: {  	p2 =	seq.s32 s10, $0x1;
	s10 =	sld [smem:$0x3FB1]  }
0x3d: {  	_ =	shalt  }
0x3e: {  	_ =	shalt  }
0x3f: {  	_ =	shalt  }
0x40: {  	_ =	shalt  }
0x41: {  	_ =	shalt  }
0x42: {  	_ =	shalt  }
0x43: {  	_ =	shalt  }
0x44: {  	_ =	shalt  }
0x45: {  	_ =	shalt  }
0x46: {  	_ =	shalt  }
0x47: {  	_ =	shalt  }
0x48: {  	_ =	shalt  }
0x49: {  	_ =	shalt  }
0x4a: {  	_ =	shalt  }
0x4b: {  	_ =	shalt  }
0x4c: {  	_ =	shalt  }
0x4d: {  	_ =	shalt  }
0x4e: {  	_ =	shalt  }
0x4f: {  	_ =	shalt  }
0x50: {  	_ =	shalt  }
0x51: {  	_ =	shalt  }
0x52: {  	_ =	shalt  }
0x53: {  	_ =	shalt  }
0x54: {  	_ =	shalt  }
0x55: {  	_ =	shalt  }
0x56: {  	_ =	shalt  }
0x57: {  	_ =	shalt  }
0x58: {  	_ =	shalt  }
0x59: {  	_ =	shalt  }
0x5a: {  	_ =	shalt  }
0x5b: {  	_ =	shalt  }
0x5c: {  	_ =	shalt  }
0x5d: {  	_ =	shalt  }
0x5e: {  	_ =	shalt  }
0x5f: {  	_ =	shalt  }
0x60: {  	_ =	shalt  }
0x61: {  	_ =	shalt  }
0x62: {  	_ =	shalt  }
0x63: {  	_ =	shalt  }
0x64: {  	_ =	shalt  }
0x65: {  	_ =	shalt  }
0x66: {  	_ =	shalt  }
0x67: {  	_ =	shalt  }
0x68: {  	_ =	shalt  }
0x69: {  	_ =	shalt  }
0x6a: {  	_ =	shalt  }
0x6b: {  	_ =	shalt  }
0x6c: {  	_ =	shalt  }
0x6d: {  	_ =	shalt  }
0x6e: {  	_ =	shalt  }
0x6f: {  	_ =	shalt  }
0x70: {  	_ =	shalt  }
0x71: {  	_ =	shalt  }
0x72: {  	_ =	shalt  }
0x73: {  	_ =	shalt  }
0x74: {  	_ =	shalt  }
0x75: {  	_ =	shalt  }
0x76: {  	_ =	shalt  }
0x77: {  	_ =	shalt  }
0x78: {  	_ =	shalt  }
0x79: {  	_ =	shalt  }
0x7a: {  	_ =	shalt  }
0x7b: {  	_ =	shalt  }
0x7c: {  	_ =	shalt  }
0x7d: {  	_ =	shalt  }
0x7e: {  	_ =	shalt  }
0x7f: {  	_ =	shalt  }
0x80: {  	_ =	shalt  }
0x81: {  	_ =	shalt  }
0x82: {  	_ =	shalt  }
0x83: {  	_ =	shalt  }
0x84: {  	_ =	shalt  }
0x85: {  	_ =	shalt  }
0x86: {  	_ =	shalt  }
0x87: {  	_ =	shalt  }
.Lfunc_end0:
.L_simem_size_0:
called_computation.3_lowered:
.L_overlay_start_0:
0x88: {  	s2 =	sld [smem:$0x3FD9]  }
0x89: {  	s3 =	sld [smem:$0x3FFE];
	_ =	sdelay $0x1  }
0x8a: {  	s1 =	srdreg.scid  }
0x8b: {  	s0 =	sand.u32 $0x1, s1  }
0x8c: {  	s17 =	sshll.u32 s0, $0xA;
	s2 =	sadd.s32 s3, s2  }
0x8d: {  	s2 =	sadd.s32 s2, s17  }
0x8e: {  	[smem:$0x3FBD] =	sst s2  }
0x8f: {  	_ = 	snop  }
0x90: {  	s2 =	sld [smem:$0x3FD0];
	(tm) =	ssettm $0x1  }
0x91: {  	s18 =	sld [smem:$0x3FFB];
	_ =	sdelay $0x3  }
0x92: {  	_ =	strace s18  }
0x93: {  	s3 =	sld [smem:$0x3FFC];
	_ =	sdelay $0x3  }
0x94: {  	_ =	strace s3  }
0x95: {  	s3 =	sld [smem:$0x3FFD];
	_ =	sdelay $0x3  }
0x96: {  	_ =	strace s3  }
0x97: {  	_ =	strace $0x8FFFFFFF  }
0x98: {  	s19 =	sld [smem:$0x3FDB];
	_ =	sdelay $0x1  }
0x99: {  	s4 =	simm.s32 $_scs_section_size  }
0x9a: {  	s5 =	simm.s32 $_size__tile_overlayer_lowered;
	s6 =	simm.s32 $_tile_overlayer_lowered  }
0x9b: {  	s22 =	simm.s32 $0x1BFF;
	s21 =	sshll.u32 s6, $0x1;
	s3 =	sadd.s32 s4, s19  }
0x9c: {  	s7 =	simm.s32 $0x0;
	s20 =	sshll.u32 s5, $0x1;
	s5 =	sadd.s32 s21, s3  }
0x9d: {  	[timem:s7], [sflag:s22] =	dma.local [hbm:s5], s20  }
0x9e: {  	_ =	swait.ge [sflag:s22], s20  }
0x9f: {  	s4 =	ssub.s32 $0x0, s20;
	[sflag:s22] =	ssyncset.done $0x0  }
0xa0: {  	[sflag:s22] =	ssyncadd.s32 s4;
	_ =	sdelay $0x1  }
0xa1: {  	s23 =	simm.s32 $0x1B8B  }
0xa2: {  	_ =	swait.ge [sflag:s23], $0x1  }
0xa3: {  	[sflag:s23] =	ssyncset.done $0x0  }
0xa4: {  	s25 =	simm.s32 $0x1B8E;
	s24 =	sld [smem:$0x3FFE];
	[sflag:s23] =	ssyncadd.s32 $0xFFFFFFFF  }
0xa5: {  	s26 =	simm.s32 $execute0_lowered;
	[smem:$0x3FD2] =	sst s25  }
0xa6: {  	s5 =	sshll.u32 s26, $0x1;
	_ =	strace $0x8000004F;
	[dreg:$0x1] =	wrdreg $0xFFFFFFFF  }
0xa7: {  	s28 =	simm.s32 $_size_execute0_lowered;
	s3 =	sadd.s32 s3, s5;
	[dreg:$0x0] =	wrdreg $0x0  }
0xa8: {  	s5 =	sshll.u32 s28, $0x1;
	[dreg:$0x2] =	wrdreg s3  }
0xa9: {  	[dreg:$0x3] =	wrdreg s5  }
0xaa: {  	[dreg:$0x4] =	wrdreg $0xC0  }
0xab: {  	_ =	task [dreg:s7], $0x5FFFF  }
0xac: {  	[dreg:$0x1] =	wrdreg $0xFFFFFFFF  }
0xad: {  	[dreg:$0x0] =	wrdreg $0x60  }
0xae: {  	[dreg:$0x2] =	wrdreg s24  }
0xaf: {  	[dreg:$0x3] =	wrdreg s2  }
0xb0: {  	[dreg:$0x4] =	wrdreg $0x90000  }
0xb1: {  	[dreg:$0x5] =	wrdreg $0x9  }
0xb2: {  	_ =	task.clear_ibuf [dreg:s7], $0x6FFFF;
	_ =	strace $0x9000004F  }
0xb3: {  	s29 =	simm.s32 $0x9;
	_ =	strace $0x80000051  }
0xb4: {  	_ =	swait.ge [sflag:s29], $0x1  }
0xb5: {  	[sflag:s29] =	ssyncadd.s32 $0xFFFFFFFF  }
0xb6: {  	_ =	strace $0x90000051  }
0xb7: {  	_ =	sfence  }
0xb8: {  	s30 =	sld [smem:$0x0];
	_ =	sdelay $0x2  }
0xb9: {  	s31 =	sshll.u32 s1, $0xD;
	s1 =	sshrl.u32 s1, $0x2  }
0xba: {  	s3 =	sand.u32 $0x4000, s31;
	s1 =	sadd.s32 s1, s30  }
0xbb: {  	s0 =	sor.u32 s3, s0;
	s1 =	sshll.u32 s1, $0x11  }
0xbc: {  	s0 =	sor.u32 s1, s0  }
0xbd: {  	s0 =	sadd.s32 $0x8F2B, s0  }
0xbe: {  	[sflag:s0] =	ssyncadd.remote.s32 $0x1  }
0xbf: {  	_ =	sfence.sel $0xFFFF  }
0xc0: {  	[dreg:$0x0] =	wrdreg $0xFFFFFFFF;
	(pc) =	sbr.abs _section_cstart, $3  }
0xc1: {  	[dreg:$0x1] =	wrdreg $0xFFFFFFFF  }
0xc2: {  	_ =	task.clear_ibuf [dreg:s7], $0x2FFFF;
	_ =	strace $0x9FFFFFFF  }
0xc3: {  	(tm) =	ssettm $0x7FFFFFFF  }
tec
execute0_lowered:
.L_overlay_start_1:
0x0: {  	(tag) =	ssettag $0x1  }
0x1: {  	s6 =	rddreg [dreg:$0x0]  }
0x2: {  	s0 =	srdreg.scid;
	s8 =	rddreg [dreg:$0x1]  }
0x3: {  	s2 =	rddreg [dreg:$0x2];
	s3 =	simm.s32 $0x0;
	s14 =	simm.s32 $0x80  }
0x4: {  	s15 =	simm.s32 $0x5000;
	s5 =	sand.u32 $0x1, s0;
	s0 =	stileid.u32  }
0x5: {  	s16 =	simm.s32 $0x0;
	[smem:$0x7FF] =	sst s3;
	s7 =	smul.u32 $0x13C000, s5  }
0x6: {  	s4 =	sadd.s32 $0x37800, s6;
	s1 =	sshll.u32 s5, $0x4;
	s10 =	smul.u32 $0x13C00, s0  }
0x7: {  	s28 =	ssub.s32 $0x2, s5;
	s12 =	smul.u32 $0x4F000, s0;
	s5 =	sadd.s32 $0xD800, s6  }
0x8: {  	s31 =	sshll.u32 s0, $0x6;
	s1 =	sor.u32 s0, s1;
	s29 =	sshrl.u32 s28, $0x1  }
0x9: {  	s9 =	smul.u32 $0x500, s1;
	s1 =	rddreg [dreg:$0x3];
	_ =	strace $0x80000050  }
0xa: {  	s7 =	sadd.s32 s10, s7;
	s10 =	ssub.s32 s28, s29;
	s30 =	sshrl.u32 s12, $0x2  }
0xb: {  	s7 =	sshrl.u32 s7, $0x3;
	s12 =	sadd.s32 s30, s2;
	s10 =	smax.u32 s10, $0x1  }
0xc: {  	s11 =	sadd.s32 s9, s6;
	s13 =	sadd.s32 s7, s6;
	s6 =	sor.u32 $0x1C01, s31  }
0xd: {  	s8 =	sadd.s32 s8, s9;
	s7 =	sadd.s32 $0x3800, s11;
	s9 =	sadd.s32 $0x5F000, s13  }
0xe: {  	s11 =	sshrl.u32 s12, $0x3;
	s12 =	simm.s32 $0x1;
	s13 =	simm.s32 $0x2800  }
.LBB2_1:
0xf: {  	[spmem:s11], [sflag:s6] =	dma.local [hbm:s5], $0x2780  }
0x10: {  	_ =	swait.ge [sflag:s12], $0x2780  }
0x11: {  	[sflag:s12] =	ssyncset.done $0x0  }
0x12: {  	[sflag:s12] =	ssyncadd.s32 $0xFFFFD880  }
0x13: {  	[tilespmem:s3], [sflag:$0x1] =	stream.linear.gather [hbm4b:s7+s3], $0x2800, $0x38;
	[tilespmem:$0x1CC00] =	vst v63  }
0x14: {  	_ =	swait.ge [sflag:s12], $0x2800  }
0x15: {  	[sflag:s12] =	ssyncset.done $0x0  }
0x16: {  	[sflag:s12] =	ssyncadd.s32 $0xFFFFD800  }
0x17: {  	[tilespmem:s13], [sflag:$0x1] =	stream.linear.gather [hbm4b:s8+s3], $0x2800, $0x38;
	[tilespmem:$0x1CC00] =	vst v63  }
0x18: {  	_ =	swait.ge [sflag:s12], $0x2800  }
0x19: {  	[sflag:s12] =	ssyncset.done $0x0  }
0x1a: {  	[sflag:s12] =	ssyncadd.s32 $0xFFFFD800  }
0x1b: {  	s17 =	simm.s32 $0x0;
	[bflag:$0x0] =	sbarrier.arrive $0xFFFF  }
0x1c: {  	[tilespmem:s15], [sflag:$0x1] =	stream.indirect.gather [hbm4b:s4+s14], $0x80, s17, s14, $0xb8;
	[tilespmem:$0x1CC00] =	vst v63  }
0x1d: {  	_ =	swait.ge [sflag:s12], $0x4000  }
0x1e: {  	[sflag:s12] =	ssyncset.done $0x0  }
0x1f: {  	s31 =	simm.s32 $0x2800;
	[sflag:s12] =	ssyncadd.s32 $0xFFFFC000  }
0x20: {  	[spmem:s2] =	stream.indirect.scatter.add.f32 [tilespmem:s15], [sflag:$0x1], $0x80, s31, s14, $0xb8;
	[tilespmem:$0x1CC00] =	vst v63  }
0x21: {  	_ =	swait.ge [sflag:s12], $0x4000  }
0x22: {  	s18 =	simm.s32 $0x400;
	s17 =	simm.s32 $0x200;
	[sflag:s12] =	ssyncset.done $0x0  }
.LBB2_2:
0x23: {  	s19 =	sshra.s32 s17, $0x2  }
0x24: {  	[sflag:s12] =	ssyncadd.s32 $0xFFFFC000;
	s17 =	smov.u32 s18;
	s20 =	sadd.s32 $0x200, s18  }
0x25: {  	[tilespmem:s15], [sflag:$0x1] =	stream.indirect.gather [hbm4b:s4+s14], $0x80, s19, s14, $0xb8;
	[tilespmem:$0x1CC00] =	vst v63  }
0x26: {  	p0 =	sne.s32 s18, $0x9E00;
	_ =	swait.ge [sflag:s12], $0x4000  }
.Ltmp0:
0x27: {  	[sflag:s12] =	ssyncset.done $0x0;
	(pc) =	sbr.rel @p0 .LBB2_2-.Ltmp0, $4  }
0x28: {  	s18 =	sadd.s32 $0x2800, s19;
	[sflag:s12] =	ssyncadd.s32 $0xFFFFC000  }
0x29: {  	[spmem:s2] =	stream.indirect.scatter.add.f32 [tilespmem:s15], [sflag:$0x1], $0x80, s18, s14, $0xb8;
	[tilespmem:$0x1CC00] =	vst v63  }
0x2a: {  	_ =	swait.ge [sflag:s12], $0x4000  }
0x2b: {  	s18 =	smov.u32 s20;
	[sflag:s12] =	ssyncset.done $0x0  }
0x2c: {  	s17 =	sshra.s32 s17, $0x2;
	[sflag:s12] =	ssyncadd.s32 $0xFFFFC000  }
0x2d: {  	[tilespmem:s15], [sflag:$0x1] =	stream.indirect.gather [hbm4b:s4+s14], $0x80, s17, s14, $0xb8;
	[tilespmem:$0x1CC00] =	vst v63  }
0x2e: {  	_ =	swait.ge [sflag:s12], $0x4000  }
0x2f: {  	[sflag:s12] =	ssyncset.done $0x0  }
0x30: {  	s17 =	sadd.s32 $0x2800, s17;
	[sflag:s12] =	ssyncadd.s32 $0xFFFFC000  }
0x31: {  	[spmem:s2] =	stream.indirect.scatter.add.f32 [tilespmem:s15], [sflag:$0x1], $0x80, s17, s14, $0xb8;
	[tilespmem:$0x1CC00] =	vst v63  }
0x32: {  	_ =	swait.ge [sflag:s12], $0x4000  }
0x33: {  	s16 =	sadd.s32 $0x1, s16;
	[sflag:s12] =	ssyncset.done $0x0  }
0x34: {  	p0 =	sne.s32 s16, s10;
	[sflag:s12] =	ssyncadd.s32 $0xFFFFC000  }
.Ltmp1:
0x35: {  	[bflag:$0x0] =	sbarrier.arrive $0xFFFF;
	(pc) =	sbr.rel @p0 .LBB2_1-.Ltmp1, $4  }
0x36: {  	[hbm:s9], [sflag:s6] =	dma.local [spmem:s11], $0x2780  }
0x37: {  	_ =	swait.ge [sflag:s12], $0x2780  }
0x38: {  	[sflag:s12] =	ssyncset.done $0x0  }
0x39: {  	[sflag:s12] =	ssyncadd.s32 $0xFFFFD880  }
0x3a: {  	_ =	sfence.sel $0x180000  }
0x3b: {  	[bflag:$0x0] =	sbarrier.arrive $0xFFFF  }
0x3c: {  	p0 =	sne.s32 s0, $0x0;
	_ =	strace $0x90000050  }
0x3d: {  	s0 =	sadd.s32 @!p0 $0x100000, s1;
	[bflag:$0x2] =	sbarrier.arrive $0xFFFF  }
0x3e: {  	[sflag:s0] =	ssyncadd.tile.s32 @!p0 $0x1;
	_ =	shalt  }
.Lfunc_end2:
_tile_overlayer_lowered:
.L_overlay_start_2:
0x3f: {  	(tag) =	ssettag $0x2  }
0x40: {  	s0 =	rddreg [dreg:$0x0];
	s2 =	stileid.u32  }
0x41: {  	s1 =	rddreg [dreg:$0x1];
	p0 =	sne.s32 s2, $0x0  }
0x42: {  	s3 =	rddreg [dreg:$0x2];
	[bflag:$0x3] =	sbarrier.arrive $0xFFFF;
	s2 =	simm.s32 @!p0 $0x1C01  }
0x43: {  	[timem:s3], [sflag:s2] =	dma.local @!p0 [hbm:s0], s1  }
0x44: {  	s0 =	simm.s32 @!p0 $0x1  }
0x45: {  	_ =	swait.ge @!p0 [sflag:s0], s1  }
0x46: {  	s1 =	ssub.s32 @!p0 $0x0, s1;
	[sflag:s0] =	ssyncset.done @!p0 $0x0  }
0x47: {  	[sflag:s0] =	ssyncadd.s32 @!p0 s1  }
0x48: {  	[bflag:$0x3] =	sbarrier.arrive $0xFFFF  }
0x49: {  	_ =	shalt  }

</sc_bundles>
